<compile_context>
chip_gen: v7x
topology: tpu7x:2x2x1
jax: 0.10.2.dev20260603
libtpu: 0.0.44.dev20260713+nightly
codegen_flags: <defaults>
</compile_context>

<pallas_src>
import jax
import jax.numpy as jnp
from jax import lax
from jax.experimental import pallas as pl
from jax.experimental.pallas import tpu as pltpu
from jax.experimental.pallas import tpu_sc as plsc

NUM_EMBEDDINGS = 100000
EMBEDDING_DIM = 128
BATCH = 4096
HIST_LEN = 200

_INFO = plsc.get_sparse_core_info()
NC, NS, L = _INFO.num_cores, _INFO.num_subcores, _INFO.num_lanes
NW = NC * NS

TOTAL = BATCH * HIST_LEN
IDX_COLS = 128
IDX_ROWS = TOTAL // IDX_COLS
ROWS_PER_W = IDX_ROWS // NW
G = 2
CHUNK = G * IDX_COLS
NITER = ROWS_PER_W // G
NBUF = 3


def _body(idx_hbm, table_hbm, out_hbm, idx_v, rows, gsem, wsem):
    c = lax.axis_index("c")
    s = lax.axis_index("s")
    wid = s * NC + c
    rbase = wid * ROWS_PER_W

    pltpu.sync_copy(idx_hbm.at[pl.ds(rbase, ROWS_PER_W)], idx_v)

    def fire_gather(it, b):
        for j in range(G):
            pltpu.async_copy(
                table_hbm.at[idx_v.at[it * G + j]],
                rows[b].at[pl.ds(j * IDX_COLS, IDX_COLS)],
                gsem[b],
            )

    def wait_gather(b):
        pltpu.make_async_copy(table_hbm.at[pl.ds(0, CHUNK)], rows[b], gsem[b]).wait()

    def fire_write(it, b):
        for j in range(G):
            pltpu.async_copy(
                rows[b].at[pl.ds(j * IDX_COLS, IDX_COLS)],
                out_hbm.at[pl.ds((rbase + it * G + j) * IDX_COLS, IDX_COLS)],
                wsem[b],
            )

    def wait_write(b):
        pltpu.make_async_copy(table_hbm.at[pl.ds(0, CHUNK)], rows[b], wsem[b]).wait()

    def emit_iter(it, b, skip_ww=False, skip_fire=False):
        wait_gather(b)
        fire_write(it, b)
        bprev = (b - 1) % NBUF
        if not skip_ww:
            wait_write(bprev)
        if not skip_fire:
            fire_gather(it + NBUF - 1, bprev)

    for cpre in range(NBUF - 1):
        fire_gather(cpre, cpre)
    emit_iter(0, 0, skip_ww=True)

    n_uniform = NITER - NBUF
    n_loop = (n_uniform // NBUF) * NBUF

    def step(k, _):
        for u in range(NBUF):
            it = NBUF * k + 1 + u
            emit_iter(it, (1 + u) % NBUF)
        return 0

    lax.fori_loop(0, n_loop // NBUF, step, 0)

    for it in range(n_loop + 1, NITER):
        emit_iter(it, it % NBUF, skip_fire=(it + NBUF - 1 > NITER - 1))
    wait_write((NITER - 1) % NBUF)


@jax.jit
def _embed(input_flat2d, weight):
    kern = pl.kernel(
        lambda ih, th, oh, iv, r0, r1, r2, g0, g1, g2, w0, w1, w2: _body(
            ih, th, oh, iv, (r0, r1, r2), (g0, g1, g2), (w0, w1, w2)
        ),
        out_type=jax.ShapeDtypeStruct((TOTAL, EMBEDDING_DIM), jnp.float32),
        mesh=plsc.VectorSubcoreMesh(core_axis_name="c", subcore_axis_name="s"),
        scratch_types=[
            pltpu.VMEM((ROWS_PER_W, IDX_COLS), jnp.int32),
        ] + [pltpu.VMEM((CHUNK, EMBEDDING_DIM), jnp.float32)] * NBUF
          + [pltpu.SemaphoreType.DMA] * (2 * NBUF),
    )
    return kern(input_flat2d, weight)


def kernel(input_, weight):
    idx2d = input_.reshape(IDX_ROWS, IDX_COLS).astype(jnp.int32)
    out = _embed(idx2d, weight)
    return out.reshape(BATCH, HIST_LEN, EMBEDDING_DIM)

# --- scband reference (transcript-rebuilt; emitter-appended) ---
"""Pipeline reference for scband-vocab-parallel-embedding-18837726560817 (READ-ONLY COPY).

The authoritative reference and input builder live on the scoring server;
editing this copy changes nothing except your own understanding.
"""

import jax, jax.numpy as jnp
import numpy as np

NUM_EMBEDDINGS = 100000
EMBEDDING_DIM = 128
BATCH = 4096
HIST_LEN = 200


def setup_inputs(seed: int = 0) -> dict:
    key = jax.random.key(seed)
    k1, k2 = jax.random.split(key)
    input_ = jax.random.randint(k1, (BATCH, HIST_LEN), 0, NUM_EMBEDDINGS, dtype=jnp.int64 if jax.config.jax_enable_x64 else jnp.int32)
    weight = jax.random.normal(k2, (NUM_EMBEDDINGS, EMBEDDING_DIM), dtype=jnp.float32)
    return {"input_": input_, "weight": weight}


def reference(input_, weight):
    # tensor_model_parallel_size == 1 path: plain gather over the vocab dim.
    # output_parallel = self.weight[masked_input]; reduce is identity for TP=1.
    output = jnp.take(weight, input_, axis=0)
    return output

if __name__ == "__main__":
    import jax
    _d = setup_inputs()
    print(jax.jit(kernel)(*tuple(_d.values())))

</pallas_src>

<mosaic_0001>
#map = affine_map<(d0, d1) -> (0, 0)>
module attributes {stable_mosaic.version = 14 : i64} {
  func.func @_lambda_(%arg0: i32, %arg1: i32, %arg2: memref<6400x128xi32, #tpu.memory_space<hbm>>, %arg3: memref<100000x128xf32, #tpu.memory_space<hbm>>, %arg4: memref<819200x128xf32, #tpu.memory_space<hbm>>, %arg5: memref<200x128xi32, #tpu.memory_space<vmem>>, %arg6: memref<256x128xf32, #tpu.memory_space<vmem>>, %arg7: memref<256x128xf32, #tpu.memory_space<vmem>>, %arg8: memref<256x128xf32, #tpu.memory_space<vmem>>, %arg9: memref<!tpu.dma_semaphore, #tpu.memory_space<semaphore_mem>>, %arg10: memref<!tpu.dma_semaphore, #tpu.memory_space<semaphore_mem>>, %arg11: memref<!tpu.dma_semaphore, #tpu.memory_space<semaphore_mem>>, %arg12: memref<!tpu.dma_semaphore, #tpu.memory_space<semaphore_mem>>, %arg13: memref<!tpu.dma_semaphore, #tpu.memory_space<semaphore_mem>>, %arg14: memref<!tpu.dma_semaphore, #tpu.memory_space<semaphore_mem>>) attributes {dimension_semantics = [#tpu.dimension_semantics<core_parallel>, #tpu.dimension_semantics<subcore_parallel>], iteration_bounds = array<i64: 2, 16>, scalar_prefetch = 0 : i64, scratch_operands = 10 : i64, tpu.core_type = #tpu.core_type<sc_vector_subcore>, window_params = [{transform_indices = #map}, {transform_indices = #map}, {transform_indices = #map}]} {
    %mul3A = arith.constant 2 : i32
    %mul3A_0 = arith.muli %arg1, %mul3A : i32
    %add3A = arith.addi %mul3A_0, %arg0 : i32
    %mul3A_1 = arith.constant 200 : i32
    %mul3A_2 = arith.muli %add3A, %mul3A_1 : i32
    "tpu.region"() ({
      %run_scoped3A = tpu.sem_alloc : memref<!tpu.dma_semaphore, #tpu.memory_space<semaphore_mem>>
      %dma_start3A_263 = arith.constant 0 : i32
      %dma_start3A_264 = tpu.memref_slice %arg2[%mul3A_2, %dma_start3A_263] : memref<6400x128xi32, #tpu.memory_space<hbm>> -> memref<200x128xi32, #tpu.memory_space<hbm>>
      %dma_start3A_265 = arith.constant 0 : i32
      %dma_start3A_266 = tpu.memref_slice %arg2[%mul3A_2, %dma_start3A_265] : memref<6400x128xi32, #tpu.memory_space<hbm>> -> memref<200x128xi32, #tpu.memory_space<hbm>>
      tpu.enqueue_dma source(%dma_start3A_266 : memref<200x128xi32, #tpu.memory_space<hbm>>) target(%arg5 : memref<200x128xi32, #tpu.memory_space<vmem>>) target_semaphore(%run_scoped3A : memref<!tpu.dma_semaphore, #tpu.memory_space<semaphore_mem>>)
      %dma_wait3A_267 = arith.constant 0 : i32
      %dma_wait3A_268 = tpu.memref_slice %arg2[%mul3A_2, %dma_wait3A_267] : memref<6400x128xi32, #tpu.memory_space<hbm>> -> memref<200x128xi32, #tpu.memory_space<hbm>>
      %dma_wait3A_269 = arith.constant 0 : i32
      %dma_wait3A_270 = tpu.memref_slice %arg2[%mul3A_2, %dma_wait3A_269] : memref<6400x128xi32, #tpu.memory_space<hbm>> -> memref<200x128xi32, #tpu.memory_space<hbm>>
      tpu.wait_dma2 semaphore(%run_scoped3A : memref<!tpu.dma_semaphore, #tpu.memory_space<semaphore_mem>>) src(%dma_wait3A_270 : memref<200x128xi32, #tpu.memory_space<hbm>>) dst(%arg5 : memref<200x128xi32, #tpu.memory_space<vmem>>)
      tpu.yield
    }) : () -> ()
    %dma_start3A = arith.constant 0 : i32
    %dma_start3A_3 = arith.constant 0 : i32
    %dma_start3A_4 = arith.constant 0 : i32
    %dma_start3A_5 = tpu.memref_slice %arg6[%dma_start3A_3, %dma_start3A_4] : memref<256x128xf32, #tpu.memory_space<vmem>> -> memref<128x128xf32, #tpu.memory_space<vmem>>
    %dma_start3A_6 = arith.constant 0 : i32
    %dma_start3A_7 = tpu.memref_slice %arg5[%dma_start3A, %dma_start3A_6] : memref<200x128xi32, #tpu.memory_space<vmem>> -> memref<1x128xi32, #tpu.memory_space<vmem>>
    %dma_start3A_8 = tpu.memref_squeeze %dma_start3A_7 : memref<1x128xi32, #tpu.memory_space<vmem>> -> memref<128xi32, #tpu.memory_space<vmem>>
    %dma_start3A_9 = arith.constant 0 : i32
    %dma_start3A_10 = arith.constant 0 : i32
    %dma_start3A_11 = tpu.memref_slice %arg3[%dma_start3A_9, %dma_start3A_10] : memref<100000x128xf32, #tpu.memory_space<hbm>> -> memref<100000x128xf32, #tpu.memory_space<hbm>>
    tpu.enqueue_indirect_dma source(%dma_start3A_11 : memref<100000x128xf32, #tpu.memory_space<hbm>>) target(%dma_start3A_5 : memref<128x128xf32, #tpu.memory_space<vmem>>) offsets(%dma_start3A_8 : memref<128xi32, #tpu.memory_space<vmem>>) semaphore(%arg9 : memref<!tpu.dma_semaphore, #tpu.memory_space<semaphore_mem>>)
    %dma_start3A_12 = arith.constant 1 : i32
    %dma_start3A_13 = arith.constant 128 : i32
    %dma_start3A_14 = arith.constant 0 : i32
    %dma_start3A_15 = tpu.memref_slice %arg6[%dma_start3A_13, %dma_start3A_14] : memref<256x128xf32, #tpu.memory_space<vmem>> -> memref<128x128xf32, #tpu.memory_space<vmem>>
    %dma_start3A_16 = arith.constant 0 : i32
    %dma_start3A_17 = tpu.memref_slice %arg5[%dma_start3A_12, %dma_start3A_16] : memref<200x128xi32, #tpu.memory_space<vmem>> -> memref<1x128xi32, #tpu.memory_space<vmem>>
    %dma_start3A_18 = tpu.memref_squeeze %dma_start3A_17 : memref<1x128xi32, #tpu.memory_space<vmem>> -> memref<128xi32, #tpu.memory_space<vmem>>
    %dma_start3A_19 = arith.constant 0 : i32
    %dma_start3A_20 = arith.constant 0 : i32
    %dma_start3A_21 = tpu.memref_slice %arg3[%dma_start3A_19, %dma_start3A_20] : memref<100000x128xf32, #tpu.memory_space<hbm>> -> memref<100000x128xf32, #tpu.memory_space<hbm>>
    tpu.enqueue_indirect_dma source(%dma_start3A_21 : memref<100000x128xf32, #tpu.memory_space<hbm>>) target(%dma_start3A_15 : memref<128x128xf32, #tpu.memory_space<vmem>>) offsets(%dma_start3A_18 : memref<128xi32, #tpu.memory_space<vmem>>) semaphore(%arg9 : memref<!tpu.dma_semaphore, #tpu.memory_space<semaphore_mem>>)
    %dma_start3A_22 = arith.constant 2 : i32
    %dma_start3A_23 = arith.constant 0 : i32
    %dma_start3A_24 = arith.constant 0 : i32
    %dma_start3A_25 = tpu.memref_slice %arg7[%dma_start3A_23, %dma_start3A_24] : memref<256x128xf32, #tpu.memory_space<vmem>> -> memref<128x128xf32, #tpu.memory_space<vmem>>
    %dma_start3A_26 = arith.constant 0 : i32
    %dma_start3A_27 = tpu.memref_slice %arg5[%dma_start3A_22, %dma_start3A_26] : memref<200x128xi32, #tpu.memory_space<vmem>> -> memref<1x128xi32, #tpu.memory_space<vmem>>
    %dma_start3A_28 = tpu.memref_squeeze %dma_start3A_27 : memref<1x128xi32, #tpu.memory_space<vmem>> -> memref<128xi32, #tpu.memory_space<vmem>>
    %dma_start3A_29 = arith.constant 0 : i32
    %dma_start3A_30 = arith.constant 0 : i32
    %dma_start3A_31 = tpu.memref_slice %arg3[%dma_start3A_29, %dma_start3A_30] : memref<100000x128xf32, #tpu.memory_space<hbm>> -> memref<100000x128xf32, #tpu.memory_space<hbm>>
    tpu.enqueue_indirect_dma source(%dma_start3A_31 : memref<100000x128xf32, #tpu.memory_space<hbm>>) target(%dma_start3A_25 : memref<128x128xf32, #tpu.memory_space<vmem>>) offsets(%dma_start3A_28 : memref<128xi32, #tpu.memory_space<vmem>>) semaphore(%arg10 : memref<!tpu.dma_semaphore, #tpu.memory_space<semaphore_mem>>)
    %dma_start3A_32 = arith.constant 3 : i32
    %dma_start3A_33 = arith.constant 128 : i32
    %dma_start3A_34 = arith.constant 0 : i32
    %dma_start3A_35 = tpu.memref_slice %arg7[%dma_start3A_33, %dma_start3A_34] : memref<256x128xf32, #tpu.memory_space<vmem>> -> memref<128x128xf32, #tpu.memory_space<vmem>>
    %dma_start3A_36 = arith.constant 0 : i32
    %dma_start3A_37 = tpu.memref_slice %arg5[%dma_start3A_32, %dma_start3A_36] : memref<200x128xi32, #tpu.memory_space<vmem>> -> memref<1x128xi32, #tpu.memory_space<vmem>>
    %dma_start3A_38 = tpu.memref_squeeze %dma_start3A_37 : memref<1x128xi32, #tpu.memory_space<vmem>> -> memref<128xi32, #tpu.memory_space<vmem>>
    %dma_start3A_39 = arith.constant 0 : i32
    %dma_start3A_40 = arith.constant 0 : i32
    %dma_start3A_41 = tpu.memref_slice %arg3[%dma_start3A_39, %dma_start3A_40] : memref<100000x128xf32, #tpu.memory_space<hbm>> -> memref<100000x128xf32, #tpu.memory_space<hbm>>
    tpu.enqueue_indirect_dma source(%dma_start3A_41 : memref<100000x128xf32, #tpu.memory_space<hbm>>) target(%dma_start3A_35 : memref<128x128xf32, #tpu.memory_space<vmem>>) offsets(%dma_start3A_38 : memref<128xi32, #tpu.memory_space<vmem>>) semaphore(%arg10 : memref<!tpu.dma_semaphore, #tpu.memory_space<semaphore_mem>>)
    %dma_wait3A = arith.constant 0 : i32
    %dma_wait3A_42 = arith.constant 0 : i32
    %dma_wait3A_43 = tpu.memref_slice %arg3[%dma_wait3A, %dma_wait3A_42] : memref<100000x128xf32, #tpu.memory_space<hbm>> -> memref<256x128xf32, #tpu.memory_space<hbm>>
    %dma_wait3A_44 = arith.constant 0 : i32
    %dma_wait3A_45 = arith.constant 0 : i32
    %dma_wait3A_46 = tpu.memref_slice %arg3[%dma_wait3A_44, %dma_wait3A_45] : memref<100000x128xf32, #tpu.memory_space<hbm>> -> memref<256x128xf32, #tpu.memory_space<hbm>>
    tpu.wait_dma2 semaphore(%arg9 : memref<!tpu.dma_semaphore, #tpu.memory_space<semaphore_mem>>) src(%dma_wait3A_46 : memref<256x128xf32, #tpu.memory_space<hbm>>) dst(%arg6 : memref<256x128xf32, #tpu.memory_space<vmem>>)
    %add3A_47 = arith.constant 0 : i32
    %add3A_48 = arith.addi %mul3A_2, %add3A_47 : i32
    %add3A_49 = arith.constant 0 : i32
    %add3A_50 = arith.addi %add3A_48, %add3A_49 : i32
    %mul3A_51 = arith.constant 128 : i32
    %mul3A_52 = arith.muli %add3A_50, %mul3A_51 : i32
    %dma_start3A_53 = arith.constant 0 : i32
    %dma_start3A_54 = arith.constant 0 : i32
    %dma_start3A_55 = tpu.memref_slice %arg6[%dma_start3A_53, %dma_start3A_54] : memref<256x128xf32, #tpu.memory_space<vmem>> -> memref<128x128xf32, #tpu.memory_space<vmem>>
    %dma_start3A_56 = arith.constant 0 : i32
    %dma_start3A_57 = tpu.memref_slice %arg4[%mul3A_52, %dma_start3A_56] : memref<819200x128xf32, #tpu.memory_space<hbm>> -> memref<128x128xf32, #tpu.memory_space<hbm>>
    %dma_start3A_58 = arith.constant 0 : i32
    %dma_start3A_59 = tpu.memref_slice %arg4[%mul3A_52, %dma_start3A_58] : memref<819200x128xf32, #tpu.memory_space<hbm>> -> memref<128x128xf32, #tpu.memory_space<hbm>>
    %dma_start3A_60 = arith.constant 0 : i32
    %dma_start3A_61 = arith.constant 0 : i32
    %dma_start3A_62 = tpu.memref_slice %arg6[%dma_start3A_60, %dma_start3A_61] : memref<256x128xf32, #tpu.memory_space<vmem>> -> memref<128x128xf32, #tpu.memory_space<vmem>>
    tpu.enqueue_dma source(%dma_start3A_62 : memref<128x128xf32, #tpu.memory_space<vmem>>) target(%dma_start3A_59 : memref<128x128xf32, #tpu.memory_space<hbm>>) target_semaphore(%arg12 : memref<!tpu.dma_semaphore, #tpu.memory_space<semaphore_mem>>)
    %add3A_63 = arith.constant 0 : i32
    %add3A_64 = arith.addi %mul3A_2, %add3A_63 : i32
    %add3A_65 = arith.constant 1 : i32
    %add3A_66 = arith.addi %add3A_64, %add3A_65 : i32
    %mul3A_67 = arith.constant 128 : i32
    %mul3A_68 = arith.muli %add3A_66, %mul3A_67 : i32
    %dma_start3A_69 = arith.constant 128 : i32
    %dma_start3A_70 = arith.constant 0 : i32
    %dma_start3A_71 = tpu.memref_slice %arg6[%dma_start3A_69, %dma_start3A_70] : memref<256x128xf32, #tpu.memory_space<vmem>> -> memref<128x128xf32, #tpu.memory_space<vmem>>
    %dma_start3A_72 = arith.constant 0 : i32
    %dma_start3A_73 = tpu.memref_slice %arg4[%mul3A_68, %dma_start3A_72] : memref<819200x128xf32, #tpu.memory_space<hbm>> -> memref<128x128xf32, #tpu.memory_space<hbm>>
    %dma_start3A_74 = arith.constant 0 : i32
    %dma_start3A_75 = tpu.memref_slice %arg4[%mul3A_68, %dma_start3A_74] : memref<819200x128xf32, #tpu.memory_space<hbm>> -> memref<128x128xf32, #tpu.memory_space<hbm>>
    %dma_start3A_76 = arith.constant 128 : i32
    %dma_start3A_77 = arith.constant 0 : i32
    %dma_start3A_78 = tpu.memref_slice %arg6[%dma_start3A_76, %dma_start3A_77] : memref<256x128xf32, #tpu.memory_space<vmem>> -> memref<128x128xf32, #tpu.memory_space<vmem>>
    tpu.enqueue_dma source(%dma_start3A_78 : memref<128x128xf32, #tpu.memory_space<vmem>>) target(%dma_start3A_75 : memref<128x128xf32, #tpu.memory_space<hbm>>) target_semaphore(%arg12 : memref<!tpu.dma_semaphore, #tpu.memory_space<semaphore_mem>>)
    %dma_start3A_79 = arith.constant 4 : i32
    %dma_start3A_80 = arith.constant 0 : i32
    %dma_start3A_81 = arith.constant 0 : i32
    %dma_start3A_82 = tpu.memref_slice %arg8[%dma_start3A_80, %dma_start3A_81] : memref<256x128xf32, #tpu.memory_space<vmem>> -> memref<128x128xf32, #tpu.memory_space<vmem>>
    %dma_start3A_83 = arith.constant 0 : i32
    %dma_start3A_84 = tpu.memref_slice %arg5[%dma_start3A_79, %dma_start3A_83] : memref<200x128xi32, #tpu.memory_space<vmem>> -> memref<1x128xi32, #tpu.memory_space<vmem>>
    %dma_start3A_85 = tpu.memref_squeeze %dma_start3A_84 : memref<1x128xi32, #tpu.memory_space<vmem>> -> memref<128xi32, #tpu.memory_space<vmem>>
    %dma_start3A_86 = arith.constant 0 : i32
    %dma_start3A_87 = arith.constant 0 : i32
    %dma_start3A_88 = tpu.memref_slice %arg3[%dma_start3A_86, %dma_start3A_87] : memref<100000x128xf32, #tpu.memory_space<hbm>> -> memref<100000x128xf32, #tpu.memory_space<hbm>>
    tpu.enqueue_indirect_dma source(%dma_start3A_88 : memref<100000x128xf32, #tpu.memory_space<hbm>>) target(%dma_start3A_82 : memref<128x128xf32, #tpu.memory_space<vmem>>) offsets(%dma_start3A_85 : memref<128xi32, #tpu.memory_space<vmem>>) semaphore(%arg11 : memref<!tpu.dma_semaphore, #tpu.memory_space<semaphore_mem>>)
    %dma_start3A_89 = arith.constant 5 : i32
    %dma_start3A_90 = arith.constant 128 : i32
    %dma_start3A_91 = arith.constant 0 : i32
    %dma_start3A_92 = tpu.memref_slice %arg8[%dma_start3A_90, %dma_start3A_91] : memref<256x128xf32, #tpu.memory_space<vmem>> -> memref<128x128xf32, #tpu.memory_space<vmem>>
    %dma_start3A_93 = arith.constant 0 : i32
    %dma_start3A_94 = tpu.memref_slice %arg5[%dma_start3A_89, %dma_start3A_93] : memref<200x128xi32, #tpu.memory_space<vmem>> -> memref<1x128xi32, #tpu.memory_space<vmem>>
    %dma_start3A_95 = tpu.memref_squeeze %dma_start3A_94 : memref<1x128xi32, #tpu.memory_space<vmem>> -> memref<128xi32, #tpu.memory_space<vmem>>
    %dma_start3A_96 = arith.constant 0 : i32
    %dma_start3A_97 = arith.constant 0 : i32
    %dma_start3A_98 = tpu.memref_slice %arg3[%dma_start3A_96, %dma_start3A_97] : memref<100000x128xf32, #tpu.memory_space<hbm>> -> memref<100000x128xf32, #tpu.memory_space<hbm>>
    tpu.enqueue_indirect_dma source(%dma_start3A_98 : memref<100000x128xf32, #tpu.memory_space<hbm>>) target(%dma_start3A_92 : memref<128x128xf32, #tpu.memory_space<vmem>>) offsets(%dma_start3A_95 : memref<128xi32, #tpu.memory_space<vmem>>) semaphore(%arg11 : memref<!tpu.dma_semaphore, #tpu.memory_space<semaphore_mem>>)
    %scan3A = arith.constant 0 : i32
    %scan3A_99 = arith.constant 0 : i32
    %scan3A_100 = arith.constant 32 : i32
    %scan3A_101 = arith.addi %scan3A_99, %scan3A_100 : i32
    %scan3A_102 = arith.constant 1 : i32
    %scan3A_103 = scf.for %scan3A_263 = %scan3A_99 to %scan3A_101 step %scan3A_102 iter_args(%scan3A_264 = %scan3A) -> (i32)  : i32 {
      %mul3A_265 = arith.constant 3 : i32
      %mul3A_266 = arith.muli %mul3A_265, %scan3A_263 : i32
      %add3A_267 = arith.constant 1 : i32
      %add3A_268 = arith.addi %mul3A_266, %add3A_267 : i32
      %add3A_269 = arith.constant 0 : i32
      %add3A_270 = arith.addi %add3A_268, %add3A_269 : i32
      %dma_wait3A_271 = arith.constant 0 : i32
      %dma_wait3A_272 = arith.constant 0 : i32
      %dma_wait3A_273 = tpu.memref_slice %arg3[%dma_wait3A_271, %dma_wait3A_272] : memref<100000x128xf32, #tpu.memory_space<hbm>> -> memref<256x128xf32, #tpu.memory_space<hbm>>
      %dma_wait3A_274 = arith.constant 0 : i32
      %dma_wait3A_275 = arith.constant 0 : i32
      %dma_wait3A_276 = tpu.memref_slice %arg3[%dma_wait3A_274, %dma_wait3A_275] : memref<100000x128xf32, #tpu.memory_space<hbm>> -> memref<256x128xf32, #tpu.memory_space<hbm>>
      tpu.wait_dma2 semaphore(%arg10 : memref<!tpu.dma_semaphore, #tpu.memory_space<semaphore_mem>>) src(%dma_wait3A_276 : memref<256x128xf32, #tpu.memory_space<hbm>>) dst(%arg7 : memref<256x128xf32, #tpu.memory_space<vmem>>)
      %mul3A_277 = arith.constant 2 : i32
      %mul3A_278 = arith.muli %add3A_270, %mul3A_277 : i32
      %add3A_279 = arith.addi %mul3A_2, %mul3A_278 : i32
      %add3A_280 = arith.constant 0 : i32
      %add3A_281 = arith.addi %add3A_279, %add3A_280 : i32
      %mul3A_282 = arith.constant 128 : i32
      %mul3A_283 = arith.muli %add3A_281, %mul3A_282 : i32
      %dma_start3A_284 = arith.constant 0 : i32
      %dma_start3A_285 = arith.constant 0 : i32
      %dma_start3A_286 = tpu.memref_slice %arg7[%dma_start3A_284, %dma_start3A_285] : memref<256x128xf32, #tpu.memory_space<vmem>> -> memref<128x128xf32, #tpu.memory_space<vmem>>
      %dma_start3A_287 = arith.constant 0 : i32
      %dma_start3A_288 = tpu.memref_slice %arg4[%mul3A_283, %dma_start3A_287] : memref<819200x128xf32, #tpu.memory_space<hbm>> -> memref<128x128xf32, #tpu.memory_space<hbm>>
      %dma_start3A_289 = arith.constant 0 : i32
      %dma_start3A_290 = tpu.memref_slice %arg4[%mul3A_283, %dma_start3A_289] : memref<819200x128xf32, #tpu.memory_space<hbm>> -> memref<128x128xf32, #tpu.memory_space<hbm>>
      %dma_start3A_291 = arith.constant 0 : i32
      %dma_start3A_292 = arith.constant 0 : i32
      %dma_start3A_293 = tpu.memref_slice %arg7[%dma_start3A_291, %dma_start3A_292] : memref<256x128xf32, #tpu.memory_space<vmem>> -> memref<128x128xf32, #tpu.memory_space<vmem>>
      tpu.enqueue_dma source(%dma_start3A_293 : memref<128x128xf32, #tpu.memory_space<vmem>>) target(%dma_start3A_290 : memref<128x128xf32, #tpu.memory_space<hbm>>) target_semaphore(%arg13 : memref<!tpu.dma_semaphore, #tpu.memory_space<semaphore_mem>>)
      %mul3A_294 = arith.constant 2 : i32
      %mul3A_295 = arith.muli %add3A_270, %mul3A_294 : i32
      %add3A_296 = arith.addi %mul3A_2, %mul3A_295 : i32
      %add3A_297 = arith.constant 1 : i32
      %add3A_298 = arith.addi %add3A_296, %add3A_297 : i32
      %mul3A_299 = arith.constant 128 : i32
      %mul3A_300 = arith.muli %add3A_298, %mul3A_299 : i32
      %dma_start3A_301 = arith.constant 128 : i32
      %dma_start3A_302 = arith.constant 0 : i32
      %dma_start3A_303 = tpu.memref_slice %arg7[%dma_start3A_301, %dma_start3A_302] : memref<256x128xf32, #tpu.memory_space<vmem>> -> memref<128x128xf32, #tpu.memory_space<vmem>>
      %dma_start3A_304 = arith.constant 0 : i32
      %dma_start3A_305 = tpu.memref_slice %arg4[%mul3A_300, %dma_start3A_304] : memref<819200x128xf32, #tpu.memory_space<hbm>> -> memref<128x128xf32, #tpu.memory_space<hbm>>
      %dma_start3A_306 = arith.constant 0 : i32
      %dma_start3A_307 = tpu.memref_slice %arg4[%mul3A_300, %dma_start3A_306] : memref<819200x128xf32, #tpu.memory_space<hbm>> -> memref<128x128xf32, #tpu.memory_space<hbm>>
      %dma_start3A_308 = arith.constant 128 : i32
      %dma_start3A_309 = arith.constant 0 : i32
      %dma_start3A_310 = tpu.memref_slice %arg7[%dma_start3A_308, %dma_start3A_309] : memref<256x128xf32, #tpu.memory_space<vmem>> -> memref<128x128xf32, #tpu.memory_space<vmem>>
      tpu.enqueue_dma source(%dma_start3A_310 : memref<128x128xf32, #tpu.memory_space<vmem>>) target(%dma_start3A_307 : memref<128x128xf32, #tpu.memory_space<hbm>>) target_semaphore(%arg13 : memref<!tpu.dma_semaphore, #tpu.memory_space<semaphore_mem>>)
      %dma_wait3A_311 = arith.constant 0 : i32
      %dma_wait3A_312 = arith.constant 0 : i32
      %dma_wait3A_313 = tpu.memref_slice %arg3[%dma_wait3A_311, %dma_wait3A_312] : memref<100000x128xf32, #tpu.memory_space<hbm>> -> memref<256x128xf32, #tpu.memory_space<hbm>>
      %dma_wait3A_314 = arith.constant 0 : i32
      %dma_wait3A_315 = arith.constant 0 : i32
      %dma_wait3A_316 = tpu.memref_slice %arg3[%dma_wait3A_314, %dma_wait3A_315] : memref<100000x128xf32, #tpu.memory_space<hbm>> -> memref<256x128xf32, #tpu.memory_space<hbm>>
      tpu.wait_dma2 semaphore(%arg12 : memref<!tpu.dma_semaphore, #tpu.memory_space<semaphore_mem>>) src(%dma_wait3A_316 : memref<256x128xf32, #tpu.memory_space<hbm>>) dst(%arg6 : memref<256x128xf32, #tpu.memory_space<vmem>>)
      %add3A_317 = arith.constant 3 : i32
      %add3A_318 = arith.addi %add3A_270, %add3A_317 : i32
      %sub3A = arith.constant 1 : i32
      %sub3A_319 = arith.subi %add3A_318, %sub3A : i32
      %mul3A_320 = arith.constant 2 : i32
      %mul3A_321 = arith.muli %sub3A_319, %mul3A_320 : i32
      %add3A_322 = arith.constant 0 : i32
      %add3A_323 = arith.addi %mul3A_321, %add3A_322 : i32
      %dma_start3A_324 = arith.constant 0 : i32
      %dma_start3A_325 = arith.constant 0 : i32
      %dma_start3A_326 = tpu.memref_slice %arg6[%dma_start3A_324, %dma_start3A_325] : memref<256x128xf32, #tpu.memory_space<vmem>> -> memref<128x128xf32, #tpu.memory_space<vmem>>
      %dma_start3A_327 = arith.constant 0 : i32
      %dma_start3A_328 = tpu.memref_slice %arg5[%add3A_323, %dma_start3A_327] : memref<200x128xi32, #tpu.memory_space<vmem>> -> memref<1x128xi32, #tpu.memory_space<vmem>>
      %dma_start3A_329 = tpu.memref_squeeze %dma_start3A_328 : memref<1x128xi32, #tpu.memory_space<vmem>> -> memref<128xi32, #tpu.memory_space<vmem>>
      %dma_start3A_330 = arith.constant 0 : i32
      %dma_start3A_331 = arith.constant 0 : i32
      %dma_start3A_332 = tpu.memref_slice %arg3[%dma_start3A_330, %dma_start3A_331] : memref<100000x128xf32, #tpu.memory_space<hbm>> -> memref<100000x128xf32, #tpu.memory_space<hbm>>
      tpu.enqueue_indirect_dma source(%dma_start3A_332 : memref<100000x128xf32, #tpu.memory_space<hbm>>) target(%dma_start3A_326 : memref<128x128xf32, #tpu.memory_space<vmem>>) offsets(%dma_start3A_329 : memref<128xi32, #tpu.memory_space<vmem>>) semaphore(%arg9 : memref<!tpu.dma_semaphore, #tpu.memory_space<semaphore_mem>>)
      %mul3A_333 = arith.constant 2 : i32
      %mul3A_334 = arith.muli %sub3A_319, %mul3A_333 : i32
      %add3A_335 = arith.constant 1 : i32
      %add3A_336 = arith.addi %mul3A_334, %add3A_335 : i32
      %dma_start3A_337 = arith.constant 128 : i32
      %dma_start3A_338 = arith.constant 0 : i32
      %dma_start3A_339 = tpu.memref_slice %arg6[%dma_start3A_337, %dma_start3A_338] : memref<256x128xf32, #tpu.memory_space<vmem>> -> memref<128x128xf32, #tpu.memory_space<vmem>>
      %dma_start3A_340 = arith.constant 0 : i32
      %dma_start3A_341 = tpu.memref_slice %arg5[%add3A_336, %dma_start3A_340] : memref<200x128xi32, #tpu.memory_space<vmem>> -> memref<1x128xi32, #tpu.memory_space<vmem>>
      %dma_start3A_342 = tpu.memref_squeeze %dma_start3A_341 : memref<1x128xi32, #tpu.memory_space<vmem>> -> memref<128xi32, #tpu.memory_space<vmem>>
      %dma_start3A_343 = arith.constant 0 : i32
      %dma_start3A_344 = arith.constant 0 : i32
      %dma_start3A_345 = tpu.memref_slice %arg3[%dma_start3A_343, %dma_start3A_344] : memref<100000x128xf32, #tpu.memory_space<hbm>> -> memref<100000x128xf32, #tpu.memory_space<hbm>>
      tpu.enqueue_indirect_dma source(%dma_start3A_345 : memref<100000x128xf32, #tpu.memory_space<hbm>>) target(%dma_start3A_339 : memref<128x128xf32, #tpu.memory_space<vmem>>) offsets(%dma_start3A_342 : memref<128xi32, #tpu.memory_space<vmem>>) semaphore(%arg9 : memref<!tpu.dma_semaphore, #tpu.memory_space<semaphore_mem>>)
      %mul3A_346 = arith.constant 3 : i32
      %mul3A_347 = arith.muli %mul3A_346, %scan3A_263 : i32
      %add3A_348 = arith.constant 1 : i32
      %add3A_349 = arith.addi %mul3A_347, %add3A_348 : i32
      %add3A_350 = arith.constant 1 : i32
      %add3A_351 = arith.addi %add3A_349, %add3A_350 : i32
      %dma_wait3A_352 = arith.constant 0 : i32
      %dma_wait3A_353 = arith.constant 0 : i32
      %dma_wait3A_354 = tpu.memref_slice %arg3[%dma_wait3A_352, %dma_wait3A_353] : memref<100000x128xf32, #tpu.memory_space<hbm>> -> memref<256x128xf32, #tpu.memory_space<hbm>>
      %dma_wait3A_355 = arith.constant 0 : i32
      %dma_wait3A_356 = arith.constant 0 : i32
      %dma_wait3A_357 = tpu.memref_slice %arg3[%dma_wait3A_355, %dma_wait3A_356] : memref<100000x128xf32, #tpu.memory_space<hbm>> -> memref<256x128xf32, #tpu.memory_space<hbm>>
      tpu.wait_dma2 semaphore(%arg11 : memref<!tpu.dma_semaphore, #tpu.memory_space<semaphore_mem>>) src(%dma_wait3A_357 : memref<256x128xf32, #tpu.memory_space<hbm>>) dst(%arg8 : memref<256x128xf32, #tpu.memory_space<vmem>>)
      %mul3A_358 = arith.constant 2 : i32
      %mul3A_359 = arith.muli %add3A_351, %mul3A_358 : i32
      %add3A_360 = arith.addi %mul3A_2, %mul3A_359 : i32
      %add3A_361 = arith.constant 0 : i32
      %add3A_362 = arith.addi %add3A_360, %add3A_361 : i32
      %mul3A_363 = arith.constant 128 : i32
      %mul3A_364 = arith.muli %add3A_362, %mul3A_363 : i32
      %dma_start3A_365 = arith.constant 0 : i32
      %dma_start3A_366 = arith.constant 0 : i32
      %dma_start3A_367 = tpu.memref_slice %arg8[%dma_start3A_365, %dma_start3A_366] : memref<256x128xf32, #tpu.memory_space<vmem>> -> memref<128x128xf32, #tpu.memory_space<vmem>>
      %dma_start3A_368 = arith.constant 0 : i32
      %dma_start3A_369 = tpu.memref_slice %arg4[%mul3A_364, %dma_start3A_368] : memref<819200x128xf32, #tpu.memory_space<hbm>> -> memref<128x128xf32, #tpu.memory_space<hbm>>
      %dma_start3A_370 = arith.constant 0 : i32
      %dma_start3A_371 = tpu.memref_slice %arg4[%mul3A_364, %dma_start3A_370] : memref<819200x128xf32, #tpu.memory_space<hbm>> -> memref<128x128xf32, #tpu.memory_space<hbm>>
      %dma_start3A_372 = arith.constant 0 : i32
      %dma_start3A_373 = arith.constant 0 : i32
      %dma_start3A_374 = tpu.memref_slice %arg8[%dma_start3A_372, %dma_start3A_373] : memref<256x128xf32, #tpu.memory_space<vmem>> -> memref<128x128xf32, #tpu.memory_space<vmem>>
      tpu.enqueue_dma source(%dma_start3A_374 : memref<128x128xf32, #tpu.memory_space<vmem>>) target(%dma_start3A_371 : memref<128x128xf32, #tpu.memory_space<hbm>>) target_semaphore(%arg14 : memref<!tpu.dma_semaphore, #tpu.memory_space<semaphore_mem>>)
      %mul3A_375 = arith.constant 2 : i32
      %mul3A_376 = arith.muli %add3A_351, %mul3A_375 : i32
      %add3A_377 = arith.addi %mul3A_2, %mul3A_376 : i32
      %add3A_378 = arith.constant 1 : i32
      %add3A_379 = arith.addi %add3A_377, %add3A_378 : i32
      %mul3A_380 = arith.constant 128 : i32
      %mul3A_381 = arith.muli %add3A_379, %mul3A_380 : i32
      %dma_start3A_382 = arith.constant 128 : i32
      %dma_start3A_383 = arith.constant 0 : i32
      %dma_start3A_384 = tpu.memref_slice %arg8[%dma_start3A_382, %dma_start3A_383] : memref<256x128xf32, #tpu.memory_space<vmem>> -> memref<128x128xf32, #tpu.memory_space<vmem>>
      %dma_start3A_385 = arith.constant 0 : i32
      %dma_start3A_386 = tpu.memref_slice %arg4[%mul3A_381, %dma_start3A_385] : memref<819200x128xf32, #tpu.memory_space<hbm>> -> memref<128x128xf32, #tpu.memory_space<hbm>>
      %dma_start3A_387 = arith.constant 0 : i32
      %dma_start3A_388 = tpu.memref_slice %arg4[%mul3A_381, %dma_start3A_387] : memref<819200x128xf32, #tpu.memory_space<hbm>> -> memref<128x128xf32, #tpu.memory_space<hbm>>
      %dma_start3A_389 = arith.constant 128 : i32
      %dma_start3A_390 = arith.constant 0 : i32
      %dma_start3A_391 = tpu.memref_slice %arg8[%dma_start3A_389, %dma_start3A_390] : memref<256x128xf32, #tpu.memory_space<vmem>> -> memref<128x128xf32, #tpu.memory_space<vmem>>
      tpu.enqueue_dma source(%dma_start3A_391 : memref<128x128xf32, #tpu.memory_space<vmem>>) target(%dma_start3A_388 : memref<128x128xf32, #tpu.memory_space<hbm>>) target_semaphore(%arg14 : memref<!tpu.dma_semaphore, #tpu.memory_space<semaphore_mem>>)
      %dma_wait3A_392 = arith.constant 0 : i32
      %dma_wait3A_393 = arith.constant 0 : i32
      %dma_wait3A_394 = tpu.memref_slice %arg3[%dma_wait3A_392, %dma_wait3A_393] : memref<100000x128xf32, #tpu.memory_space<hbm>> -> memref<256x128xf32, #tpu.memory_space<hbm>>
      %dma_wait3A_395 = arith.constant 0 : i32
      %dma_wait3A_396 = arith.constant 0 : i32
      %dma_wait3A_397 = tpu.memref_slice %arg3[%dma_wait3A_395, %dma_wait3A_396] : memref<100000x128xf32, #tpu.memory_space<hbm>> -> memref<256x128xf32, #tpu.memory_space<hbm>>
      tpu.wait_dma2 semaphore(%arg13 : memref<!tpu.dma_semaphore, #tpu.memory_space<semaphore_mem>>) src(%dma_wait3A_397 : memref<256x128xf32, #tpu.memory_space<hbm>>) dst(%arg7 : memref<256x128xf32, #tpu.memory_space<vmem>>)
      %add3A_398 = arith.constant 3 : i32
      %add3A_399 = arith.addi %add3A_351, %add3A_398 : i32
      %sub3A_400 = arith.constant 1 : i32
      %sub3A_401 = arith.subi %add3A_399, %sub3A_400 : i32
      %mul3A_402 = arith.constant 2 : i32
      %mul3A_403 = arith.muli %sub3A_401, %mul3A_402 : i32
      %add3A_404 = arith.constant 0 : i32
      %add3A_405 = arith.addi %mul3A_403, %add3A_404 : i32
      %dma_start3A_406 = arith.constant 0 : i32
      %dma_start3A_407 = arith.constant 0 : i32
      %dma_start3A_408 = tpu.memref_slice %arg7[%dma_start3A_406, %dma_start3A_407] : memref<256x128xf32, #tpu.memory_space<vmem>> -> memref<128x128xf32, #tpu.memory_space<vmem>>
      %dma_start3A_409 = arith.constant 0 : i32
      %dma_start3A_410 = tpu.memref_slice %arg5[%add3A_405, %dma_start3A_409] : memref<200x128xi32, #tpu.memory_space<vmem>> -> memref<1x128xi32, #tpu.memory_space<vmem>>
      %dma_start3A_411 = tpu.memref_squeeze %dma_start3A_410 : memref<1x128xi32, #tpu.memory_space<vmem>> -> memref<128xi32, #tpu.memory_space<vmem>>
      %dma_start3A_412 = arith.constant 0 : i32
      %dma_start3A_413 = arith.constant 0 : i32
      %dma_start3A_414 = tpu.memref_slice %arg3[%dma_start3A_412, %dma_start3A_413] : memref<100000x128xf32, #tpu.memory_space<hbm>> -> memref<100000x128xf32, #tpu.memory_space<hbm>>
      tpu.enqueue_indirect_dma source(%dma_start3A_414 : memref<100000x128xf32, #tpu.memory_space<hbm>>) target(%dma_start3A_408 : memref<128x128xf32, #tpu.memory_space<vmem>>) offsets(%dma_start3A_411 : memref<128xi32, #tpu.memory_space<vmem>>) semaphore(%arg10 : memref<!tpu.dma_semaphore, #tpu.memory_space<semaphore_mem>>)
      %mul3A_415 = arith.constant 2 : i32
      %mul3A_416 = arith.muli %sub3A_401, %mul3A_415 : i32
      %add3A_417 = arith.constant 1 : i32
      %add3A_418 = arith.addi %mul3A_416, %add3A_417 : i32
      %dma_start3A_419 = arith.constant 128 : i32
      %dma_start3A_420 = arith.constant 0 : i32
      %dma_start3A_421 = tpu.memref_slice %arg7[%dma_start3A_419, %dma_start3A_420] : memref<256x128xf32, #tpu.memory_space<vmem>> -> memref<128x128xf32, #tpu.memory_space<vmem>>
      %dma_start3A_422 = arith.constant 0 : i32
      %dma_start3A_423 = tpu.memref_slice %arg5[%add3A_418, %dma_start3A_422] : memref<200x128xi32, #tpu.memory_space<vmem>> -> memref<1x128xi32, #tpu.memory_space<vmem>>
      %dma_start3A_424 = tpu.memref_squeeze %dma_start3A_423 : memref<1x128xi32, #tpu.memory_space<vmem>> -> memref<128xi32, #tpu.memory_space<vmem>>
      %dma_start3A_425 = arith.constant 0 : i32
      %dma_start3A_426 = arith.constant 0 : i32
      %dma_start3A_427 = tpu.memref_slice %arg3[%dma_start3A_425, %dma_start3A_426] : memref<100000x128xf32, #tpu.memory_space<hbm>> -> memref<100000x128xf32, #tpu.memory_space<hbm>>
      tpu.enqueue_indirect_dma source(%dma_start3A_427 : memref<100000x128xf32, #tpu.memory_space<hbm>>) target(%dma_start3A_421 : memref<128x128xf32, #tpu.memory_space<vmem>>) offsets(%dma_start3A_424 : memref<128xi32, #tpu.memory_space<vmem>>) semaphore(%arg10 : memref<!tpu.dma_semaphore, #tpu.memory_space<semaphore_mem>>)
      %mul3A_428 = arith.constant 3 : i32
      %mul3A_429 = arith.muli %mul3A_428, %scan3A_263 : i32
      %add3A_430 = arith.constant 1 : i32
      %add3A_431 = arith.addi %mul3A_429, %add3A_430 : i32
      %add3A_432 = arith.constant 2 : i32
      %add3A_433 = arith.addi %add3A_431, %add3A_432 : i32
      %dma_wait3A_434 = arith.constant 0 : i32
      %dma_wait3A_435 = arith.constant 0 : i32
      %dma_wait3A_436 = tpu.memref_slice %arg3[%dma_wait3A_434, %dma_wait3A_435] : memref<100000x128xf32, #tpu.memory_space<hbm>> -> memref<256x128xf32, #tpu.memory_space<hbm>>
      %dma_wait3A_437 = arith.constant 0 : i32
      %dma_wait3A_438 = arith.constant 0 : i32
      %dma_wait3A_439 = tpu.memref_slice %arg3[%dma_wait3A_437, %dma_wait3A_438] : memref<100000x128xf32, #tpu.memory_space<hbm>> -> memref<256x128xf32, #tpu.memory_space<hbm>>
      tpu.wait_dma2 semaphore(%arg9 : memref<!tpu.dma_semaphore, #tpu.memory_space<semaphore_mem>>) src(%dma_wait3A_439 : memref<256x128xf32, #tpu.memory_space<hbm>>) dst(%arg6 : memref<256x128xf32, #tpu.memory_space<vmem>>)
      %mul3A_440 = arith.constant 2 : i32
      %mul3A_441 = arith.muli %add3A_433, %mul3A_440 : i32
      %add3A_442 = arith.addi %mul3A_2, %mul3A_441 : i32
      %add3A_443 = arith.constant 0 : i32
      %add3A_444 = arith.addi %add3A_442, %add3A_443 : i32
      %mul3A_445 = arith.constant 128 : i32
      %mul3A_446 = arith.muli %add3A_444, %mul3A_445 : i32
      %dma_start3A_447 = arith.constant 0 : i32
      %dma_start3A_448 = arith.constant 0 : i32
      %dma_start3A_449 = tpu.memref_slice %arg6[%dma_start3A_447, %dma_start3A_448] : memref<256x128xf32, #tpu.memory_space<vmem>> -> memref<128x128xf32, #tpu.memory_space<vmem>>
      %dma_start3A_450 = arith.constant 0 : i32
      %dma_start3A_451 = tpu.memref_slice %arg4[%mul3A_446, %dma_start3A_450] : memref<819200x128xf32, #tpu.memory_space<hbm>> -> memref<128x128xf32, #tpu.memory_space<hbm>>
      %dma_start3A_452 = arith.constant 0 : i32
      %dma_start3A_453 = tpu.memref_slice %arg4[%mul3A_446, %dma_start3A_452] : memref<819200x128xf32, #tpu.memory_space<hbm>> -> memref<128x128xf32, #tpu.memory_space<hbm>>
      %dma_start3A_454 = arith.constant 0 : i32
      %dma_start3A_455 = arith.constant 0 : i32
      %dma_start3A_456 = tpu.memref_slice %arg6[%dma_start3A_454, %dma_start3A_455] : memref<256x128xf32, #tpu.memory_space<vmem>> -> memref<128x128xf32, #tpu.memory_space<vmem>>
      tpu.enqueue_dma source(%dma_start3A_456 : memref<128x128xf32, #tpu.memory_space<vmem>>) target(%dma_start3A_453 : memref<128x128xf32, #tpu.memory_space<hbm>>) target_semaphore(%arg12 : memref<!tpu.dma_semaphore, #tpu.memory_space<semaphore_mem>>)
      %mul3A_457 = arith.constant 2 : i32
      %mul3A_458 = arith.muli %add3A_433, %mul3A_457 : i32
      %add3A_459 = arith.addi %mul3A_2, %mul3A_458 : i32
      %add3A_460 = arith.constant 1 : i32
      %add3A_461 = arith.addi %add3A_459, %add3A_460 : i32
      %mul3A_462 = arith.constant 128 : i32
      %mul3A_463 = arith.muli %add3A_461, %mul3A_462 : i32
      %dma_start3A_464 = arith.constant 128 : i32
      %dma_start3A_465 = arith.constant 0 : i32
      %dma_start3A_466 = tpu.memref_slice %arg6[%dma_start3A_464, %dma_start3A_465] : memref<256x128xf32, #tpu.memory_space<vmem>> -> memref<128x128xf32, #tpu.memory_space<vmem>>
      %dma_start3A_467 = arith.constant 0 : i32
      %dma_start3A_468 = tpu.memref_slice %arg4[%mul3A_463, %dma_start3A_467] : memref<819200x128xf32, #tpu.memory_space<hbm>> -> memref<128x128xf32, #tpu.memory_space<hbm>>
      %dma_start3A_469 = arith.constant 0 : i32
      %dma_start3A_470 = tpu.memref_slice %arg4[%mul3A_463, %dma_start3A_469] : memref<819200x128xf32, #tpu.memory_space<hbm>> -> memref<128x128xf32, #tpu.memory_space<hbm>>
      %dma_start3A_471 = arith.constant 128 : i32
      %dma_start3A_472 = arith.constant 0 : i32
      %dma_start3A_473 = tpu.memref_slice %arg6[%dma_start3A_471, %dma_start3A_472] : memref<256x128xf32, #tpu.memory_space<vmem>> -> memref<128x128xf32, #tpu.memory_space<vmem>>
      tpu.enqueue_dma source(%dma_start3A_473 : memref<128x128xf32, #tpu.memory_space<vmem>>) target(%dma_start3A_470 : memref<128x128xf32, #tpu.memory_space<hbm>>) target_semaphore(%arg12 : memref<!tpu.dma_semaphore, #tpu.memory_space<semaphore_mem>>)
      %dma_wait3A_474 = arith.constant 0 : i32
      %dma_wait3A_475 = arith.constant 0 : i32
      %dma_wait3A_476 = tpu.memref_slice %arg3[%dma_wait3A_474, %dma_wait3A_475] : memref<100000x128xf32, #tpu.memory_space<hbm>> -> memref<256x128xf32, #tpu.memory_space<hbm>>
      %dma_wait3A_477 = arith.constant 0 : i32
      %dma_wait3A_478 = arith.constant 0 : i32
      %dma_wait3A_479 = tpu.memref_slice %arg3[%dma_wait3A_477, %dma_wait3A_478] : memref<100000x128xf32, #tpu.memory_space<hbm>> -> memref<256x128xf32, #tpu.memory_space<hbm>>
      tpu.wait_dma2 semaphore(%arg14 : memref<!tpu.dma_semaphore, #tpu.memory_space<semaphore_mem>>) src(%dma_wait3A_479 : memref<256x128xf32, #tpu.memory_space<hbm>>) dst(%arg8 : memref<256x128xf32, #tpu.memory_space<vmem>>)
      %add3A_480 = arith.constant 3 : i32
      %add3A_481 = arith.addi %add3A_433, %add3A_480 : i32
      %sub3A_482 = arith.constant 1 : i32
      %sub3A_483 = arith.subi %add3A_481, %sub3A_482 : i32
      %mul3A_484 = arith.constant 2 : i32
      %mul3A_485 = arith.muli %sub3A_483, %mul3A_484 : i32
      %add3A_486 = arith.constant 0 : i32
      %add3A_487 = arith.addi %mul3A_485, %add3A_486 : i32
      %dma_start3A_488 = arith.constant 0 : i32
      %dma_start3A_489 = arith.constant 0 : i32
      %dma_start3A_490 = tpu.memref_slice %arg8[%dma_start3A_488, %dma_start3A_489] : memref<256x128xf32, #tpu.memory_space<vmem>> -> memref<128x128xf32, #tpu.memory_space<vmem>>
      %dma_start3A_491 = arith.constant 0 : i32
      %dma_start3A_492 = tpu.memref_slice %arg5[%add3A_487, %dma_start3A_491] : memref<200x128xi32, #tpu.memory_space<vmem>> -> memref<1x128xi32, #tpu.memory_space<vmem>>
      %dma_start3A_493 = tpu.memref_squeeze %dma_start3A_492 : memref<1x128xi32, #tpu.memory_space<vmem>> -> memref<128xi32, #tpu.memory_space<vmem>>
      %dma_start3A_494 = arith.constant 0 : i32
      %dma_start3A_495 = arith.constant 0 : i32
      %dma_start3A_496 = tpu.memref_slice %arg3[%dma_start3A_494, %dma_start3A_495] : memref<100000x128xf32, #tpu.memory_space<hbm>> -> memref<100000x128xf32, #tpu.memory_space<hbm>>
      tpu.enqueue_indirect_dma source(%dma_start3A_496 : memref<100000x128xf32, #tpu.memory_space<hbm>>) target(%dma_start3A_490 : memref<128x128xf32, #tpu.memory_space<vmem>>) offsets(%dma_start3A_493 : memref<128xi32, #tpu.memory_space<vmem>>) semaphore(%arg11 : memref<!tpu.dma_semaphore, #tpu.memory_space<semaphore_mem>>)
      %mul3A_497 = arith.constant 2 : i32
      %mul3A_498 = arith.muli %sub3A_483, %mul3A_497 : i32
      %add3A_499 = arith.constant 1 : i32
      %add3A_500 = arith.addi %mul3A_498, %add3A_499 : i32
      %dma_start3A_501 = arith.constant 128 : i32
      %dma_start3A_502 = arith.constant 0 : i32
      %dma_start3A_503 = tpu.memref_slice %arg8[%dma_start3A_501, %dma_start3A_502] : memref<256x128xf32, #tpu.memory_space<vmem>> -> memref<128x128xf32, #tpu.memory_space<vmem>>
      %dma_start3A_504 = arith.constant 0 : i32
      %dma_start3A_505 = tpu.memref_slice %arg5[%add3A_500, %dma_start3A_504] : memref<200x128xi32, #tpu.memory_space<vmem>> -> memref<1x128xi32, #tpu.memory_space<vmem>>
      %dma_start3A_506 = tpu.memref_squeeze %dma_start3A_505 : memref<1x128xi32, #tpu.memory_space<vmem>> -> memref<128xi32, #tpu.memory_space<vmem>>
      %dma_start3A_507 = arith.constant 0 : i32
      %dma_start3A_508 = arith.constant 0 : i32
      %dma_start3A_509 = tpu.memref_slice %arg3[%dma_start3A_507, %dma_start3A_508] : memref<100000x128xf32, #tpu.memory_space<hbm>> -> memref<100000x128xf32, #tpu.memory_space<hbm>>
      tpu.enqueue_indirect_dma source(%dma_start3A_509 : memref<100000x128xf32, #tpu.memory_space<hbm>>) target(%dma_start3A_503 : memref<128x128xf32, #tpu.memory_space<vmem>>) offsets(%dma_start3A_506 : memref<128xi32, #tpu.memory_space<vmem>>) semaphore(%arg11 : memref<!tpu.dma_semaphore, #tpu.memory_space<semaphore_mem>>)
      %scan3A_510 = arith.constant 0 : i32
      scf.yield %scan3A_510 : i32
    }
    %scan3A_104 = arith.constant 32 : i32
    %dma_wait3A_105 = arith.constant 0 : i32
    %dma_wait3A_106 = arith.constant 0 : i32
    %dma_wait3A_107 = tpu.memref_slice %arg3[%dma_wait3A_105, %dma_wait3A_106] : memref<100000x128xf32, #tpu.memory_space<hbm>> -> memref<256x128xf32, #tpu.memory_space<hbm>>
    %dma_wait3A_108 = arith.constant 0 : i32
    %dma_wait3A_109 = arith.constant 0 : i32
    %dma_wait3A_110 = tpu.memref_slice %arg3[%dma_wait3A_108, %dma_wait3A_109] : memref<100000x128xf32, #tpu.memory_space<hbm>> -> memref<256x128xf32, #tpu.memory_space<hbm>>
    tpu.wait_dma2 semaphore(%arg10 : memref<!tpu.dma_semaphore, #tpu.memory_space<semaphore_mem>>) src(%dma_wait3A_110 : memref<256x128xf32, #tpu.memory_space<hbm>>) dst(%arg7 : memref<256x128xf32, #tpu.memory_space<vmem>>)
    %add3A_111 = arith.constant 194 : i32
    %add3A_112 = arith.addi %mul3A_2, %add3A_111 : i32
    %add3A_113 = arith.constant 0 : i32
    %add3A_114 = arith.addi %add3A_112, %add3A_113 : i32
    %mul3A_115 = arith.constant 128 : i32
    %mul3A_116 = arith.muli %add3A_114, %mul3A_115 : i32
    %dma_start3A_117 = arith.constant 0 : i32
    %dma_start3A_118 = arith.constant 0 : i32
    %dma_start3A_119 = tpu.memref_slice %arg7[%dma_start3A_117, %dma_start3A_118] : memref<256x128xf32, #tpu.memory_space<vmem>> -> memref<128x128xf32, #tpu.memory_space<vmem>>
    %dma_start3A_120 = arith.constant 0 : i32
    %dma_start3A_121 = tpu.memref_slice %arg4[%mul3A_116, %dma_start3A_120] : memref<819200x128xf32, #tpu.memory_space<hbm>> -> memref<128x128xf32, #tpu.memory_space<hbm>>
    %dma_start3A_122 = arith.constant 0 : i32
    %dma_start3A_123 = tpu.memref_slice %arg4[%mul3A_116, %dma_start3A_122] : memref<819200x128xf32, #tpu.memory_space<hbm>> -> memref<128x128xf32, #tpu.memory_space<hbm>>
    %dma_start3A_124 = arith.constant 0 : i32
    %dma_start3A_125 = arith.constant 0 : i32
    %dma_start3A_126 = tpu.memref_slice %arg7[%dma_start3A_124, %dma_start3A_125] : memref<256x128xf32, #tpu.memory_space<vmem>> -> memref<128x128xf32, #tpu.memory_space<vmem>>
    tpu.enqueue_dma source(%dma_start3A_126 : memref<128x128xf32, #tpu.memory_space<vmem>>) target(%dma_start3A_123 : memref<128x128xf32, #tpu.memory_space<hbm>>) target_semaphore(%arg13 : memref<!tpu.dma_semaphore, #tpu.memory_space<semaphore_mem>>)
    %add3A_127 = arith.constant 194 : i32
    %add3A_128 = arith.addi %mul3A_2, %add3A_127 : i32
    %add3A_129 = arith.constant 1 : i32
    %add3A_130 = arith.addi %add3A_128, %add3A_129 : i32
    %mul3A_131 = arith.constant 128 : i32
    %mul3A_132 = arith.muli %add3A_130, %mul3A_131 : i32
    %dma_start3A_133 = arith.constant 128 : i32
    %dma_start3A_134 = arith.constant 0 : i32
    %dma_start3A_135 = tpu.memref_slice %arg7[%dma_start3A_133, %dma_start3A_134] : memref<256x128xf32, #tpu.memory_space<vmem>> -> memref<128x128xf32, #tpu.memory_space<vmem>>
    %dma_start3A_136 = arith.constant 0 : i32
    %dma_start3A_137 = tpu.memref_slice %arg4[%mul3A_132, %dma_start3A_136] : memref<819200x128xf32, #tpu.memory_space<hbm>> -> memref<128x128xf32, #tpu.memory_space<hbm>>
    %dma_start3A_138 = arith.constant 0 : i32
    %dma_start3A_139 = tpu.memref_slice %arg4[%mul3A_132, %dma_start3A_138] : memref<819200x128xf32, #tpu.memory_space<hbm>> -> memref<128x128xf32, #tpu.memory_space<hbm>>
    %dma_start3A_140 = arith.constant 128 : i32
    %dma_start3A_141 = arith.constant 0 : i32
    %dma_start3A_142 = tpu.memref_slice %arg7[%dma_start3A_140, %dma_start3A_141] : memref<256x128xf32, #tpu.memory_space<vmem>> -> memref<128x128xf32, #tpu.memory_space<vmem>>
    tpu.enqueue_dma source(%dma_start3A_142 : memref<128x128xf32, #tpu.memory_space<vmem>>) target(%dma_start3A_139 : memref<128x128xf32, #tpu.memory_space<hbm>>) target_semaphore(%arg13 : memref<!tpu.dma_semaphore, #tpu.memory_space<semaphore_mem>>)
    %dma_wait3A_143 = arith.constant 0 : i32
    %dma_wait3A_144 = arith.constant 0 : i32
    %dma_wait3A_145 = tpu.memref_slice %arg3[%dma_wait3A_143, %dma_wait3A_144] : memref<100000x128xf32, #tpu.memory_space<hbm>> -> memref<256x128xf32, #tpu.memory_space<hbm>>
    %dma_wait3A_146 = arith.constant 0 : i32
    %dma_wait3A_147 = arith.constant 0 : i32
    %dma_wait3A_148 = tpu.memref_slice %arg3[%dma_wait3A_146, %dma_wait3A_147] : memref<100000x128xf32, #tpu.memory_space<hbm>> -> memref<256x128xf32, #tpu.memory_space<hbm>>
    tpu.wait_dma2 semaphore(%arg12 : memref<!tpu.dma_semaphore, #tpu.memory_space<semaphore_mem>>) src(%dma_wait3A_148 : memref<256x128xf32, #tpu.memory_space<hbm>>) dst(%arg6 : memref<256x128xf32, #tpu.memory_space<vmem>>)
    %dma_start3A_149 = arith.constant 198 : i32
    %dma_start3A_150 = arith.constant 0 : i32
    %dma_start3A_151 = arith.constant 0 : i32
    %dma_start3A_152 = tpu.memref_slice %arg6[%dma_start3A_150, %dma_start3A_151] : memref<256x128xf32, #tpu.memory_space<vmem>> -> memref<128x128xf32, #tpu.memory_space<vmem>>
    %dma_start3A_153 = arith.constant 0 : i32
    %dma_start3A_154 = tpu.memref_slice %arg5[%dma_start3A_149, %dma_start3A_153] : memref<200x128xi32, #tpu.memory_space<vmem>> -> memref<1x128xi32, #tpu.memory_space<vmem>>
    %dma_start3A_155 = tpu.memref_squeeze %dma_start3A_154 : memref<1x128xi32, #tpu.memory_space<vmem>> -> memref<128xi32, #tpu.memory_space<vmem>>
    %dma_start3A_156 = arith.constant 0 : i32
    %dma_start3A_157 = arith.constant 0 : i32
    %dma_start3A_158 = tpu.memref_slice %arg3[%dma_start3A_156, %dma_start3A_157] : memref<100000x128xf32, #tpu.memory_space<hbm>> -> memref<100000x128xf32, #tpu.memory_space<hbm>>
    tpu.enqueue_indirect_dma source(%dma_start3A_158 : memref<100000x128xf32, #tpu.memory_space<hbm>>) target(%dma_start3A_152 : memref<128x128xf32, #tpu.memory_space<vmem>>) offsets(%dma_start3A_155 : memref<128xi32, #tpu.memory_space<vmem>>) semaphore(%arg9 : memref<!tpu.dma_semaphore, #tpu.memory_space<semaphore_mem>>)
    %dma_start3A_159 = arith.constant 199 : i32
    %dma_start3A_160 = arith.constant 128 : i32
    %dma_start3A_161 = arith.constant 0 : i32
    %dma_start3A_162 = tpu.memref_slice %arg6[%dma_start3A_160, %dma_start3A_161] : memref<256x128xf32, #tpu.memory_space<vmem>> -> memref<128x128xf32, #tpu.memory_space<vmem>>
    %dma_start3A_163 = arith.constant 0 : i32
    %dma_start3A_164 = tpu.memref_slice %arg5[%dma_start3A_159, %dma_start3A_163] : memref<200x128xi32, #tpu.memory_space<vmem>> -> memref<1x128xi32, #tpu.memory_space<vmem>>
    %dma_start3A_165 = tpu.memref_squeeze %dma_start3A_164 : memref<1x128xi32, #tpu.memory_space<vmem>> -> memref<128xi32, #tpu.memory_space<vmem>>
    %dma_start3A_166 = arith.constant 0 : i32
    %dma_start3A_167 = arith.constant 0 : i32
    %dma_start3A_168 = tpu.memref_slice %arg3[%dma_start3A_166, %dma_start3A_167] : memref<100000x128xf32, #tpu.memory_space<hbm>> -> memref<100000x128xf32, #tpu.memory_space<hbm>>
    tpu.enqueue_indirect_dma source(%dma_start3A_168 : memref<100000x128xf32, #tpu.memory_space<hbm>>) target(%dma_start3A_162 : memref<128x128xf32, #tpu.memory_space<vmem>>) offsets(%dma_start3A_165 : memref<128xi32, #tpu.memory_space<vmem>>) semaphore(%arg9 : memref<!tpu.dma_semaphore, #tpu.memory_space<semaphore_mem>>)
    %dma_wait3A_169 = arith.constant 0 : i32
    %dma_wait3A_170 = arith.constant 0 : i32
    %dma_wait3A_171 = tpu.memref_slice %arg3[%dma_wait3A_169, %dma_wait3A_170] : memref<100000x128xf32, #tpu.memory_space<hbm>> -> memref<256x128xf32, #tpu.memory_space<hbm>>
    %dma_wait3A_172 = arith.constant 0 : i32
    %dma_wait3A_173 = arith.constant 0 : i32
    %dma_wait3A_174 = tpu.memref_slice %arg3[%dma_wait3A_172, %dma_wait3A_173] : memref<100000x128xf32, #tpu.memory_space<hbm>> -> memref<256x128xf32, #tpu.memory_space<hbm>>
    tpu.wait_dma2 semaphore(%arg11 : memref<!tpu.dma_semaphore, #tpu.memory_space<semaphore_mem>>) src(%dma_wait3A_174 : memref<256x128xf32, #tpu.memory_space<hbm>>) dst(%arg8 : memref<256x128xf32, #tpu.memory_space<vmem>>)
    %add3A_175 = arith.constant 196 : i32
    %add3A_176 = arith.addi %mul3A_2, %add3A_175 : i32
    %add3A_177 = arith.constant 0 : i32
    %add3A_178 = arith.addi %add3A_176, %add3A_177 : i32
    %mul3A_179 = arith.constant 128 : i32
    %mul3A_180 = arith.muli %add3A_178, %mul3A_179 : i32
    %dma_start3A_181 = arith.constant 0 : i32
    %dma_start3A_182 = arith.constant 0 : i32
    %dma_start3A_183 = tpu.memref_slice %arg8[%dma_start3A_181, %dma_start3A_182] : memref<256x128xf32, #tpu.memory_space<vmem>> -> memref<128x128xf32, #tpu.memory_space<vmem>>
    %dma_start3A_184 = arith.constant 0 : i32
    %dma_start3A_185 = tpu.memref_slice %arg4[%mul3A_180, %dma_start3A_184] : memref<819200x128xf32, #tpu.memory_space<hbm>> -> memref<128x128xf32, #tpu.memory_space<hbm>>
    %dma_start3A_186 = arith.constant 0 : i32
    %dma_start3A_187 = tpu.memref_slice %arg4[%mul3A_180, %dma_start3A_186] : memref<819200x128xf32, #tpu.memory_space<hbm>> -> memref<128x128xf32, #tpu.memory_space<hbm>>
    %dma_start3A_188 = arith.constant 0 : i32
    %dma_start3A_189 = arith.constant 0 : i32
    %dma_start3A_190 = tpu.memref_slice %arg8[%dma_start3A_188, %dma_start3A_189] : memref<256x128xf32, #tpu.memory_space<vmem>> -> memref<128x128xf32, #tpu.memory_space<vmem>>
    tpu.enqueue_dma source(%dma_start3A_190 : memref<128x128xf32, #tpu.memory_space<vmem>>) target(%dma_start3A_187 : memref<128x128xf32, #tpu.memory_space<hbm>>) target_semaphore(%arg14 : memref<!tpu.dma_semaphore, #tpu.memory_space<semaphore_mem>>)
    %add3A_191 = arith.constant 196 : i32
    %add3A_192 = arith.addi %mul3A_2, %add3A_191 : i32
    %add3A_193 = arith.constant 1 : i32
    %add3A_194 = arith.addi %add3A_192, %add3A_193 : i32
    %mul3A_195 = arith.constant 128 : i32
    %mul3A_196 = arith.muli %add3A_194, %mul3A_195 : i32
    %dma_start3A_197 = arith.constant 128 : i32
    %dma_start3A_198 = arith.constant 0 : i32
    %dma_start3A_199 = tpu.memref_slice %arg8[%dma_start3A_197, %dma_start3A_198] : memref<256x128xf32, #tpu.memory_space<vmem>> -> memref<128x128xf32, #tpu.memory_space<vmem>>
    %dma_start3A_200 = arith.constant 0 : i32
    %dma_start3A_201 = tpu.memref_slice %arg4[%mul3A_196, %dma_start3A_200] : memref<819200x128xf32, #tpu.memory_space<hbm>> -> memref<128x128xf32, #tpu.memory_space<hbm>>
    %dma_start3A_202 = arith.constant 0 : i32
    %dma_start3A_203 = tpu.memref_slice %arg4[%mul3A_196, %dma_start3A_202] : memref<819200x128xf32, #tpu.memory_space<hbm>> -> memref<128x128xf32, #tpu.memory_space<hbm>>
    %dma_start3A_204 = arith.constant 128 : i32
    %dma_start3A_205 = arith.constant 0 : i32
    %dma_start3A_206 = tpu.memref_slice %arg8[%dma_start3A_204, %dma_start3A_205] : memref<256x128xf32, #tpu.memory_space<vmem>> -> memref<128x128xf32, #tpu.memory_space<vmem>>
    tpu.enqueue_dma source(%dma_start3A_206 : memref<128x128xf32, #tpu.memory_space<vmem>>) target(%dma_start3A_203 : memref<128x128xf32, #tpu.memory_space<hbm>>) target_semaphore(%arg14 : memref<!tpu.dma_semaphore, #tpu.memory_space<semaphore_mem>>)
    %dma_wait3A_207 = arith.constant 0 : i32
    %dma_wait3A_208 = arith.constant 0 : i32
    %dma_wait3A_209 = tpu.memref_slice %arg3[%dma_wait3A_207, %dma_wait3A_208] : memref<100000x128xf32, #tpu.memory_space<hbm>> -> memref<256x128xf32, #tpu.memory_space<hbm>>
    %dma_wait3A_210 = arith.constant 0 : i32
    %dma_wait3A_211 = arith.constant 0 : i32
    %dma_wait3A_212 = tpu.memref_slice %arg3[%dma_wait3A_210, %dma_wait3A_211] : memref<100000x128xf32, #tpu.memory_space<hbm>> -> memref<256x128xf32, #tpu.memory_space<hbm>>
    tpu.wait_dma2 semaphore(%arg13 : memref<!tpu.dma_semaphore, #tpu.memory_space<semaphore_mem>>) src(%dma_wait3A_212 : memref<256x128xf32, #tpu.memory_space<hbm>>) dst(%arg7 : memref<256x128xf32, #tpu.memory_space<vmem>>)
    %dma_wait3A_213 = arith.constant 0 : i32
    %dma_wait3A_214 = arith.constant 0 : i32
    %dma_wait3A_215 = tpu.memref_slice %arg3[%dma_wait3A_213, %dma_wait3A_214] : memref<100000x128xf32, #tpu.memory_space<hbm>> -> memref<256x128xf32, #tpu.memory_space<hbm>>
    %dma_wait3A_216 = arith.constant 0 : i32
    %dma_wait3A_217 = arith.constant 0 : i32
    %dma_wait3A_218 = tpu.memref_slice %arg3[%dma_wait3A_216, %dma_wait3A_217] : memref<100000x128xf32, #tpu.memory_space<hbm>> -> memref<256x128xf32, #tpu.memory_space<hbm>>
    tpu.wait_dma2 semaphore(%arg9 : memref<!tpu.dma_semaphore, #tpu.memory_space<semaphore_mem>>) src(%dma_wait3A_218 : memref<256x128xf32, #tpu.memory_space<hbm>>) dst(%arg6 : memref<256x128xf32, #tpu.memory_space<vmem>>)
    %add3A_219 = arith.constant 198 : i32
    %add3A_220 = arith.addi %mul3A_2, %add3A_219 : i32
    %add3A_221 = arith.constant 0 : i32
    %add3A_222 = arith.addi %add3A_220, %add3A_221 : i32
    %mul3A_223 = arith.constant 128 : i32
    %mul3A_224 = arith.muli %add3A_222, %mul3A_223 : i32
    %dma_start3A_225 = arith.constant 0 : i32
    %dma_start3A_226 = arith.constant 0 : i32
    %dma_start3A_227 = tpu.memref_slice %arg6[%dma_start3A_225, %dma_start3A_226] : memref<256x128xf32, #tpu.memory_space<vmem>> -> memref<128x128xf32, #tpu.memory_space<vmem>>
    %dma_start3A_228 = arith.constant 0 : i32
    %dma_start3A_229 = tpu.memref_slice %arg4[%mul3A_224, %dma_start3A_228] : memref<819200x128xf32, #tpu.memory_space<hbm>> -> memref<128x128xf32, #tpu.memory_space<hbm>>
    %dma_start3A_230 = arith.constant 0 : i32
    %dma_start3A_231 = tpu.memref_slice %arg4[%mul3A_224, %dma_start3A_230] : memref<819200x128xf32, #tpu.memory_space<hbm>> -> memref<128x128xf32, #tpu.memory_space<hbm>>
    %dma_start3A_232 = arith.constant 0 : i32
    %dma_start3A_233 = arith.constant 0 : i32
    %dma_start3A_234 = tpu.memref_slice %arg6[%dma_start3A_232, %dma_start3A_233] : memref<256x128xf32, #tpu.memory_space<vmem>> -> memref<128x128xf32, #tpu.memory_space<vmem>>
    tpu.enqueue_dma source(%dma_start3A_234 : memref<128x128xf32, #tpu.memory_space<vmem>>) target(%dma_start3A_231 : memref<128x128xf32, #tpu.memory_space<hbm>>) target_semaphore(%arg12 : memref<!tpu.dma_semaphore, #tpu.memory_space<semaphore_mem>>)
    %add3A_235 = arith.constant 198 : i32
    %add3A_236 = arith.addi %mul3A_2, %add3A_235 : i32
    %add3A_237 = arith.constant 1 : i32
    %add3A_238 = arith.addi %add3A_236, %add3A_237 : i32
    %mul3A_239 = arith.constant 128 : i32
    %mul3A_240 = arith.muli %add3A_238, %mul3A_239 : i32
    %dma_start3A_241 = arith.constant 128 : i32
    %dma_start3A_242 = arith.constant 0 : i32
    %dma_start3A_243 = tpu.memref_slice %arg6[%dma_start3A_241, %dma_start3A_242] : memref<256x128xf32, #tpu.memory_space<vmem>> -> memref<128x128xf32, #tpu.memory_space<vmem>>
    %dma_start3A_244 = arith.constant 0 : i32
    %dma_start3A_245 = tpu.memref_slice %arg4[%mul3A_240, %dma_start3A_244] : memref<819200x128xf32, #tpu.memory_space<hbm>> -> memref<128x128xf32, #tpu.memory_space<hbm>>
    %dma_start3A_246 = arith.constant 0 : i32
    %dma_start3A_247 = tpu.memref_slice %arg4[%mul3A_240, %dma_start3A_246] : memref<819200x128xf32, #tpu.memory_space<hbm>> -> memref<128x128xf32, #tpu.memory_space<hbm>>
    %dma_start3A_248 = arith.constant 128 : i32
    %dma_start3A_249 = arith.constant 0 : i32
    %dma_start3A_250 = tpu.memref_slice %arg6[%dma_start3A_248, %dma_start3A_249] : memref<256x128xf32, #tpu.memory_space<vmem>> -> memref<128x128xf32, #tpu.memory_space<vmem>>
    tpu.enqueue_dma source(%dma_start3A_250 : memref<128x128xf32, #tpu.memory_space<vmem>>) target(%dma_start3A_247 : memref<128x128xf32, #tpu.memory_space<hbm>>) target_semaphore(%arg12 : memref<!tpu.dma_semaphore, #tpu.memory_space<semaphore_mem>>)
    %dma_wait3A_251 = arith.constant 0 : i32
    %dma_wait3A_252 = arith.constant 0 : i32
    %dma_wait3A_253 = tpu.memref_slice %arg3[%dma_wait3A_251, %dma_wait3A_252] : memref<100000x128xf32, #tpu.memory_space<hbm>> -> memref<256x128xf32, #tpu.memory_space<hbm>>
    %dma_wait3A_254 = arith.constant 0 : i32
    %dma_wait3A_255 = arith.constant 0 : i32
    %dma_wait3A_256 = tpu.memref_slice %arg3[%dma_wait3A_254, %dma_wait3A_255] : memref<100000x128xf32, #tpu.memory_space<hbm>> -> memref<256x128xf32, #tpu.memory_space<hbm>>
    tpu.wait_dma2 semaphore(%arg14 : memref<!tpu.dma_semaphore, #tpu.memory_space<semaphore_mem>>) src(%dma_wait3A_256 : memref<256x128xf32, #tpu.memory_space<hbm>>) dst(%arg8 : memref<256x128xf32, #tpu.memory_space<vmem>>)
    %dma_wait3A_257 = arith.constant 0 : i32
    %dma_wait3A_258 = arith.constant 0 : i32
    %dma_wait3A_259 = tpu.memref_slice %arg3[%dma_wait3A_257, %dma_wait3A_258] : memref<100000x128xf32, #tpu.memory_space<hbm>> -> memref<256x128xf32, #tpu.memory_space<hbm>>
    %dma_wait3A_260 = arith.constant 0 : i32
    %dma_wait3A_261 = arith.constant 0 : i32
    %dma_wait3A_262 = tpu.memref_slice %arg3[%dma_wait3A_260, %dma_wait3A_261] : memref<100000x128xf32, #tpu.memory_space<hbm>> -> memref<256x128xf32, #tpu.memory_space<hbm>>
    tpu.wait_dma2 semaphore(%arg12 : memref<!tpu.dma_semaphore, #tpu.memory_space<semaphore_mem>>) src(%dma_wait3A_262 : memref<256x128xf32, #tpu.memory_space<hbm>>) dst(%arg6 : memref<256x128xf32, #tpu.memory_space<vmem>>)
    return
  }
}

</mosaic_0001>

<sc_bundles>
// kernel: _embed.3.cloned.1.call-start
scs
__scs_entry_jumppad:
0x0: {  	(pc) =	sbr.rel $0x88, $3  }
0x1: {  	(tag) =	ssettag $0x0;
	lr =	simm.s32 $0x1  }
0x2: {  	[smem:$0x3F9F] =	sst lr;
	_ =	strace $0xD0000000  }
0x3: {  	_ = 	snop  }
0x4: {  	_ = 	snop  }
0x5: {  	_ = 	snop  }
0x6: {  	_ = 	snop  }
0x7: {  	_ = 	snop  }
__scs_overlays_trampoline_lowered:
0x8: {  	[smem:$0x3FAE] =	sst s0  }
0x9: {  	[smem:$0x3FAF] =	sst s1  }
0xa: {  	[smem:$0x3FB0] =	sst s2  }
0xb: {  	[smem:$0x3FB1] =	sst s3  }
0xc: {  	[smem:$0x3FB2] =	sst s4  }
0xd: {  	[smem:$0x3FB3] =	sst s5  }
0xe: {  	[smem:$0x3FB4] =	sst s6  }
0xf: {  	[smem:$0x3FB5] =	sst s7  }
0x10: {  	[smem:$0x3FB6] =	sst s8  }
0x11: {  	[smem:$0x3FB7] =	sst s9;
	s0 =	simm.s32 @!p0 $0x0  }
0x12: {  	s1 =	sld [smem:$0x3F9D];
	s0 =	simm.s32 @p0 $0x1  }
0x13: {  	[smem:$0x3FB8] =	sst s0;
	s0 =	simm.s32 @!p1 $0x0  }
0x14: {  	s2 =	sld [smem:$0x3F9C];
	s0 =	simm.s32 @p1 $0x1  }
0x15: {  	[smem:$0x3FB9] =	sst s0;
	s0 =	simm.s32 @!p2 $0x0  }
0x16: {  	s3 =	sld [smem:$0x3FDB];
	s0 =	simm.s32 @p2 $0x1  }
0x17: {  	s4 =	simm.s32 $0x1BF5;
	[smem:$0x3FBB] =	sst s0  }
0x18: {  	s0 =	sld [smem:$0x3F9E];
	_ =	swait.ge [sflag:s4], $0x0  }
0x19: {  	s7 =	sld [smem:$0x3F9F]  }
0x1a: {  	s8 =	sadd.s32 $0xFFFFE003, lr  }
0x1b: {  	s9 =	sadd.s32 $0xFFFFFEF7, lr;
	s5 =	simm.s32 $0xFFFFFFFF;
	p2 =	slt.u32 s8, $0xFFFFF086  }
0x1c: {  	p1 =	slt.u32 s9, $0xF7A;
	s5 =	simm.s32 @!p2 $0x0  }
0x1d: {  	s5 =	simm.s32 @p1 $0x1;
	p0 =	seq.s32 s7, s2  }
0x1e: {  	s7 =	smul.u32 @!p0 $0xF7A, s2;
	p2 =	seq.s32 @!p0 s5, $0x0  }
0x1f: {  	s9 =	smul.u32 $0xF7A, s1;
	s8 =	simm.s32 @!p0 $0x1BF5;
	p2 =	por !p2, p0  }
0x20: {  	[sflag:s8] =	ssyncset.s32 @!p0 $0xFFFFF086;
	s6 =	sadd.s32 @!p0 s3, s7;
	s7 =	simm.s32 @!p0 $0x108  }
0x21: {  	s3 =	sadd.s32 s3, s9;
	s6 =	sadd.s32 @!p0 $0x88, s6;
	s7 =	simm.s32 @p2 $0x1082  }
0x22: {  	[simem:s7], [sflag:s8] =	dma.local @!p0 [hbm:s6], $0xF7A  }
0x23: {  	s9 =	sor.u32 $0xD0000000, s2;
	s6 =	simm.s32 $0x108;
	_ =	swait.ge @!p0 [sflag:s8], $0x0  }
0x24: {  	s3 =	sadd.s32 $0x88, s3;
	s6 =	simm.s32 @!p1 $0x1082;
	[sflag:s4] =	ssyncset.s32 $0xFFFFF086  }
0x25: {  	[simem:s6], [sflag:s4] =	dma.local [hbm:s3], $0xF7A  }
0x26: {  	[smem:$0x3F9F] =	sst s1;
	(tag) =	ssettag s2;
	_ =	strace s9  }
0x27: {  	s1 =	sld [smem:$0x3FAF]  }
0x28: {  	s2 =	sld [smem:$0x3FB0]  }
0x29: {  	s4 =	sld [smem:$0x3FB2]  }
0x2a: {  	p0 =	seq.s32 s5, $0x0;
	s5 =	sld [smem:$0x3FB3]  }
0x2b: {  	s6 =	sld [smem:$0x3FB4]  }
0x2c: {  	s7 =	sld [smem:$0x3FB5]  }
0x2d: {  	s3 =	simm.s32 $0x108;
	s8 =	sld [smem:$0x3FB6]  }
0x2e: {  	s3 =	simm.s32 @!p0 $0x1082;
	s9 =	sld [smem:$0x3FB7]  }
0x2f: {  	lr =	sadd.s32 s0, s3;
	s0 =	sld [smem:$0x3FAE]  }
0x30: {  	s3 =	sld [smem:$0x3FB1]  }
0x31: {  	[smem:$0x3FBA] =	sst s10  }
0x32: {  	s10 =	sld [smem:$0x3FB8];
	_ =	sdelay $0x3  }
0x33: {  	p0 =	seq.s32 s10, $0x1;
	s10 =	sld [smem:$0x3FBA];
	_ =	sdelay $0x3  }
0x34: {  	[smem:$0x3FBA] =	sst s10  }
0x35: {  	s10 =	sld [smem:$0x3FB9];
	_ =	sdelay $0x3  }
0x36: {  	p1 =	seq.s32 s10, $0x1;
	s10 =	sld [smem:$0x3FBA];
	_ =	sdelay $0x3  }
0x37: {  	[smem:$0x3FBA] =	sst s10  }
0x38: {  	s10 =	sld [smem:$0x3FBB]  }
0x39: {  	_ = 	snop;
	(pc) =	sbr.ind lr, $3  }
0x3a: {  	_ = 	snop  }
0x3b: {  	_ = 	snop  }
0x3c: {  	p2 =	seq.s32 s10, $0x1;
	s10 =	sld [smem:$0x3FBA]  }
0x3d: {  	_ =	shalt  }
0x3e: {  	_ =	shalt  }
0x3f: {  	_ =	shalt  }
0x40: {  	_ =	shalt  }
0x41: {  	_ =	shalt  }
0x42: {  	_ =	shalt  }
0x43: {  	_ =	shalt  }
0x44: {  	_ =	shalt  }
0x45: {  	_ =	shalt  }
0x46: {  	_ =	shalt  }
0x47: {  	_ =	shalt  }
0x48: {  	_ =	shalt  }
0x49: {  	_ =	shalt  }
0x4a: {  	_ =	shalt  }
0x4b: {  	_ =	shalt  }
0x4c: {  	_ =	shalt  }
0x4d: {  	_ =	shalt  }
0x4e: {  	_ =	shalt  }
0x4f: {  	_ =	shalt  }
0x50: {  	_ =	shalt  }
0x51: {  	_ =	shalt  }
0x52: {  	_ =	shalt  }
0x53: {  	_ =	shalt  }
0x54: {  	_ =	shalt  }
0x55: {  	_ =	shalt  }
0x56: {  	_ =	shalt  }
0x57: {  	_ =	shalt  }
0x58: {  	_ =	shalt  }
0x59: {  	_ =	shalt  }
0x5a: {  	_ =	shalt  }
0x5b: {  	_ =	shalt  }
0x5c: {  	_ =	shalt  }
0x5d: {  	_ =	shalt  }
0x5e: {  	_ =	shalt  }
0x5f: {  	_ =	shalt  }
0x60: {  	_ =	shalt  }
0x61: {  	_ =	shalt  }
0x62: {  	_ =	shalt  }
0x63: {  	_ =	shalt  }
0x64: {  	_ =	shalt  }
0x65: {  	_ =	shalt  }
0x66: {  	_ =	shalt  }
0x67: {  	_ =	shalt  }
0x68: {  	_ =	shalt  }
0x69: {  	_ =	shalt  }
0x6a: {  	_ =	shalt  }
0x6b: {  	_ =	shalt  }
0x6c: {  	_ =	shalt  }
0x6d: {  	_ =	shalt  }
0x6e: {  	_ =	shalt  }
0x6f: {  	_ =	shalt  }
0x70: {  	_ =	shalt  }
0x71: {  	_ =	shalt  }
0x72: {  	_ =	shalt  }
0x73: {  	_ =	shalt  }
0x74: {  	_ =	shalt  }
0x75: {  	_ =	shalt  }
0x76: {  	_ =	shalt  }
0x77: {  	_ =	shalt  }
0x78: {  	_ =	shalt  }
0x79: {  	_ =	shalt  }
0x7a: {  	_ =	shalt  }
0x7b: {  	_ =	shalt  }
0x7c: {  	_ =	shalt  }
0x7d: {  	_ =	shalt  }
0x7e: {  	_ =	shalt  }
0x7f: {  	_ =	shalt  }
0x80: {  	_ =	shalt  }
0x81: {  	_ =	shalt  }
0x82: {  	_ =	shalt  }
0x83: {  	_ =	shalt  }
0x84: {  	_ =	shalt  }
0x85: {  	_ =	shalt  }
0x86: {  	_ =	shalt  }
0x87: {  	_ =	shalt  }
.Lfunc_end0:
.L_simem_size_0:
called_computation_lowered:
.L_overlay_start_0:
0x88: {  	s2 =	sld [smem:$0x3FD9]  }
0x89: {  	s3 =	sld [smem:$0x3FFE];
	_ =	sdelay $0x1  }
0x8a: {  	s1 =	srdreg.scid  }
0x8b: {  	s0 =	sand.u32 $0x1, s1  }
0x8c: {  	s18 =	sshll.u32 s0, $0xA;
	s2 =	sadd.s32 s3, s2  }
0x8d: {  	s2 =	sadd.s32 s2, s18  }
0x8e: {  	[smem:$0x3FC6] =	sst s2  }
0x8f: {  	_ = 	snop  }
0x90: {  	s2 =	sld [smem:$0x3FC9]  }
0x91: {  	s19 =	sld [smem:$0x3FC8]  }
0x92: {  	s4 =	sld [smem:$0x3FD0];
	(tm) =	ssettm $0x1  }
0x93: {  	s5 =	sld [smem:$0x3FFB];
	_ =	sdelay $0x3  }
0x94: {  	_ =	strace s5  }
0x95: {  	s5 =	sld [smem:$0x3FFC];
	_ =	sdelay $0x3  }
0x96: {  	_ =	strace s5  }
0x97: {  	s5 =	sld [smem:$0x3FFD];
	_ =	sdelay $0x3  }
0x98: {  	_ =	strace s5  }
0x99: {  	_ =	strace $0x8FFFFFFF  }
0x9a: {  	s20 =	sld [smem:$0x3FDB];
	_ =	sdelay $0x1  }
0x9b: {  	s6 =	simm.s32 $_scs_section_size  }
0x9c: {  	s7 =	simm.s32 $_size__tile_overlayer_lowered;
	s8 =	simm.s32 $_tile_overlayer_lowered  }
0x9d: {  	s23 =	simm.s32 $0x1BFF;
	s22 =	sshll.u32 s8, $0x1;
	s5 =	sadd.s32 s6, s20  }
0x9e: {  	s9 =	simm.s32 $0x0;
	s21 =	sshll.u32 s7, $0x1;
	s7 =	sadd.s32 s22, s5  }
0x9f: {  	[timem:s9], [sflag:s23] =	dma.local [hbm:s7], s21  }
0xa0: {  	_ =	swait.ge [sflag:s23], s21  }
0xa1: {  	s6 =	ssub.s32 $0x0, s21;
	[sflag:s23] =	ssyncset.done $0x0  }
0xa2: {  	[sflag:s23] =	ssyncadd.s32 s6;
	_ =	sdelay $0x1  }
0xa3: {  	s24 =	simm.s32 $0x1B8B  }
0xa4: {  	_ =	swait.ge [sflag:s24], $0x1  }
0xa5: {  	[sflag:s24] =	ssyncset.done $0x0  }
0xa6: {  	s25 =	simm.s32 $0x1B8E;
	[sflag:s24] =	ssyncadd.s32 $0xFFFFFFFF  }
0xa7: {  	s26 =	simm.s32 $execute0_lowered;
	[smem:$0x3FD2] =	sst s25  }
0xa8: {  	s6 =	sshll.u32 s26, $0x1;
	_ =	strace $0x80000046;
	[dreg:$0x1] =	wrdreg $0xFFFFFFFF  }
0xa9: {  	s28 =	simm.s32 $_size_execute0_lowered;
	s5 =	sadd.s32 s5, s6;
	[dreg:$0x0] =	wrdreg $0x0  }
0xaa: {  	s6 =	sshll.u32 s28, $0x1;
	[dreg:$0x2] =	wrdreg s5  }
0xab: {  	[dreg:$0x3] =	wrdreg s6  }
0xac: {  	[dreg:$0x4] =	wrdreg $0xC0  }
0xad: {  	_ =	task [dreg:s9], $0x5FFFF  }
0xae: {  	[dreg:$0x1] =	wrdreg $0xFFFFFFFF  }
0xaf: {  	[dreg:$0x0] =	wrdreg $0x60  }
0xb0: {  	[dreg:$0x2] =	wrdreg s2  }
0xb1: {  	[dreg:$0x3] =	wrdreg s19  }
0xb2: {  	[dreg:$0x4] =	wrdreg s4  }
0xb3: {  	[dreg:$0x5] =	wrdreg $0x9  }
0xb4: {  	_ =	task.clear_ibuf [dreg:s9], $0x6FFFF;
	_ =	strace $0x90000046  }
0xb5: {  	s29 =	simm.s32 $0x9;
	_ =	strace $0x80000048  }
0xb6: {  	_ =	swait.ge [sflag:s29], $0x1  }
0xb7: {  	[sflag:s29] =	ssyncadd.s32 $0xFFFFFFFF  }
0xb8: {  	_ =	strace $0x90000048  }
0xb9: {  	_ =	sfence  }
0xba: {  	s30 =	sld [smem:$0x0];
	_ =	sdelay $0x2  }
0xbb: {  	s31 =	sshll.u32 s1, $0xD;
	s1 =	sshrl.u32 s1, $0x2  }
0xbc: {  	s3 =	sand.u32 $0x4000, s31;
	s1 =	sadd.s32 s1, s30  }
0xbd: {  	s0 =	sor.u32 s3, s0;
	s1 =	sshll.u32 s1, $0x11  }
0xbe: {  	s0 =	sor.u32 s1, s0  }
0xbf: {  	s0 =	sadd.s32 $0x8F2B, s0  }
0xc0: {  	[sflag:s0] =	ssyncadd.remote.s32 $0x1  }
0xc1: {  	_ =	sfence.sel $0xFFFF  }
0xc2: {  	[dreg:$0x0] =	wrdreg $0xFFFFFFFF;
	(pc) =	sbr.abs _section_cstart, $3  }
0xc3: {  	[dreg:$0x1] =	wrdreg $0xFFFFFFFF  }
0xc4: {  	_ =	task.clear_ibuf [dreg:s9], $0x2FFFF;
	_ =	strace $0x9FFFFFFF  }
0xc5: {  	(tm) =	ssettm $0x7FFFFFFF  }
tec
execute0_lowered:
.L_overlay_start_1:
0x0: {  	(tag) =	ssettag $0x1  }
0x1: {  	s0 =	srdreg.scid;
	s1 =	rddreg [dreg:$0x0]  }
0x2: {  	s10 =	stileid.u32;
	s2 =	rddreg [dreg:$0x1]  }
0x3: {  	s4 =	simm.s32 $0x0;
	s16 =	simm.s32 $0x7;
	s17 =	simm.s32 $0x80  }
0x4: {  	s18 =	simm.s32 $0x6400;
	s19 =	simm.s32 $0xA400;
	s21 =	simm.s32 $0xE400  }
0x5: {  	s0 =	sand.u32 $0x1, s0;
	s3 =	sshll.u32 s10, $0x1;
	s10 =	smul.u32 $0x190, s10  }
0x6: {  	s5 =	sor.u32 s0, s3;
	s8 =	ssub.s32 $0x2, s0;
	s0 =	smul.u32 $0xC8, s0  }
0x7: {  	s29 =	simm.s32 $0x1A400;
	s30 =	simm.s32 $0x2;
	s6 =	smul.u32 $0xC80, s5  }
0x8: {  	s31 =	simm.s32 $0x4;
	s20 =	simm.s32 $0x6;
	s7 =	smul.u32 $0x64000, s5  }
0x9: {  	s28 =	simm.s32 $0x0;
	[smem:$0x7FF] =	sst s4;
	s5 =	smul.u32 $0x320000, s5  }
0xa: {  	s3 =	rddreg [dreg:$0x2];
	_ =	strace $0x80000047;
	s9 =	sshrl.u32 s8, $0x1  }
0xb: {  	s14 =	ssub.s32 s8, s9;
	s0 =	sadd.s32 s0, s10;
	s5 =	sshrl.u32 s5, $0x3  }
0xc: {  	s1 =	sadd.s32 s1, s6;
	s6 =	sadd.s32 s3, s7;
	s0 =	sshll.u32 s0, $0xB  }
0xd: {  	s14 =	smax.u32 s14, $0x1;
	[dreg:$0x6] =	wrdreg s1;
	s23 =	sadd.s32 s3, s5  }
0xe: {  	s24 =	sadd.s32 $0x800, s6;
	s25 =	sor.u32 $0x2000, s0;
	s26 =	sor.u32 $0x1000, s0  }
0xf: {  	s15 =	sor.u32 $0x3000, s0;
	s1 =	simm.s32 $0x3;
	s0 =	simm.s32 $0x5  }
0x10: {  	[dreg:$0x7] =	wrdreg s24;
	s8 =	sadd.s32 $0x61000, s23;
	s9 =	sadd.s32 $0x61800, s23  }
0x11: {  	s10 =	sadd.s32 $0x62000, s23;
	s11 =	sadd.s32 $0x62800, s23;
	[dreg:$0x4] =	wrdreg s25  }
0x12: {  	s12 =	sadd.s32 $0x63000, s23;
	s13 =	sadd.s32 $0x63800, s23;
	[dreg:$0x5] =	wrdreg s26  }
0x13: {  	s23 =	simm.s32 $0x12400;
	s24 =	simm.s32 $0x1;
	s26 =	simm.s32 $0x16400  }
.LBB2_1:
0x14: {  	s5 =	rddreg [dreg:$0x6]  }
0x15: {  	[tilespmem:s4], [sflag:$0x7] =	stream.linear.gather [hbm4b:s5+s4], $0x6400, $0x38;
	[tilespmem:$0x1E400] =	vst v63  }
0x16: {  	_ =	swait.ge [sflag:s16], $0x6400  }
0x17: {  	[sflag:s16] =	ssyncset.done $0x0  }
0x18: {  	[sflag:s16] =	ssyncadd.s32 $0xFFFF9C00  }
0x19: {  	[tilespmem:s18], [sflag:$0x1] =	stream.indirect.gather [hbm4b:s2+s17], $0x80, s4, s17, $0xb8;
	[tilespmem:$0x1E400] =	vst v63  }
0x1a: {  	_ = 	snop  }
0x1b: {  	[tilespmem:s19], [sflag:$0x1] =	stream.indirect.gather [hbm4b:s2+s17], $0x80, s17, s17, $0xb8;
	[tilespmem:$0x1E400] =	vst v63  }
0x1c: {  	s25 =	simm.s32 $0x100  }
0x1d: {  	[tilespmem:s21], [sflag:$0x2] =	stream.indirect.gather [hbm4b:s2+s17], $0x80, s25, s17, $0xb8;
	[tilespmem:$0x1E400] =	vst v63  }
0x1e: {  	s7 =	simm.s32 $0x180  }
0x1f: {  	[tilespmem:s23], [sflag:$0x2] =	stream.indirect.gather [hbm4b:s2+s17], $0x80, s7, s17, $0xb8;
	[tilespmem:$0x1E400] =	vst v63  }
0x20: {  	_ =	swait.ge [sflag:s24], $0x8000  }
0x21: {  	[sflag:s24] =	ssyncset.done $0x0  }
0x22: {  	[sflag:s24] =	ssyncadd.s32 $0xFFFF8000  }
0x23: {  	[hbm4b:s6+s4] =	stream.linear.scatter [tilespmem:s18], [sflag:$0x4], $0x4000, $0x38;
	[tilespmem:$0x1E400] =	vst v63  }
0x24: {  	s22 =	rddreg [dreg:$0x7]  }
0x25: {  	[hbm4b:s22+s4] =	stream.linear.scatter [tilespmem:s19], [sflag:$0x4], $0x4000, $0x38;
	[tilespmem:$0x1E400] =	vst v63  }
0x26: {  	s25 =	simm.s32 $0x200  }
0x27: {  	[tilespmem:s26], [sflag:$0x3] =	stream.indirect.gather [hbm4b:s2+s17], $0x80, s25, s17, $0xb8;
	[tilespmem:$0x1E400] =	vst v63  }
0x28: {  	s7 =	simm.s32 $0x280  }
0x29: {  	[tilespmem:s29], [sflag:$0x3] =	stream.indirect.gather [hbm4b:s2+s17], $0x80, s7, s17, $0xb8;
	[tilespmem:$0x1E400] =	vst v63  }
0x2a: {  	_ =	swait.ge [sflag:s30], $0x8000  }
0x2b: {  	s22 =	rddreg [dreg:$0x5];
	[sflag:s30] =	ssyncset.done $0x0  }
0x2c: {  	[sflag:s30] =	ssyncadd.s32 $0xFFFF8000;
	s5 =	sadd.s32 s3, s22  }
0x2d: {  	[hbm4b:s5+s4] =	stream.linear.scatter [tilespmem:s21], [sflag:$0x5], $0x4000, $0x38;
	[tilespmem:$0x1E400] =	vst v63  }
0x2e: {  	s5 =	sadd.s32 $0x800, s5  }
0x2f: {  	[hbm4b:s5+s4] =	stream.linear.scatter [tilespmem:s23], [sflag:$0x5], $0x4000, $0x38;
	[tilespmem:$0x1E400] =	vst v63  }
0x30: {  	_ =	swait.ge [sflag:s31], $0x8000  }
0x31: {  	[sflag:s31] =	ssyncset.done $0x0  }
0x32: {  	s25 =	simm.s32 $0x300;
	[sflag:s31] =	ssyncadd.s32 $0xFFFF8000  }
0x33: {  	[tilespmem:s18], [sflag:$0x1] =	stream.indirect.gather [hbm4b:s2+s17], $0x80, s25, s17, $0xb8;
	[tilespmem:$0x1E400] =	vst v63  }
0x34: {  	s7 =	simm.s32 $0x380  }
0x35: {  	[tilespmem:s19], [sflag:$0x1] =	stream.indirect.gather [hbm4b:s2+s17], $0x80, s7, s17, $0xb8;
	[tilespmem:$0x1E400] =	vst v63  }
0x36: {  	_ =	swait.ge [sflag:s1], $0x8000  }
0x37: {  	s22 =	rddreg [dreg:$0x4];
	[sflag:s1] =	ssyncset.done $0x0  }
0x38: {  	[sflag:s1] =	ssyncadd.s32 $0xFFFF8000;
	s5 =	sadd.s32 s3, s22  }
0x39: {  	[hbm4b:s5+s4] =	stream.linear.scatter [tilespmem:s26], [sflag:$0x6], $0x4000, $0x38;
	[tilespmem:$0x1E400] =	vst v63  }
0x3a: {  	s5 =	sadd.s32 $0x800, s5  }
0x3b: {  	[hbm4b:s5+s4] =	stream.linear.scatter [tilespmem:s29], [sflag:$0x6], $0x4000, $0x38;
	[tilespmem:$0x1E400] =	vst v63  }
0x3c: {  	_ =	swait.ge [sflag:s0], $0x8000  }
0x3d: {  	[sflag:s0] =	ssyncset.done $0x0  }
0x3e: {  	s25 =	simm.s32 $0x400;
	[sflag:s0] =	ssyncadd.s32 $0xFFFF8000  }
0x3f: {  	[tilespmem:s21], [sflag:$0x2] =	stream.indirect.gather [hbm4b:s2+s17], $0x80, s25, s17, $0xb8;
	[tilespmem:$0x1E400] =	vst v63  }
0x40: {  	s7 =	simm.s32 $0x480  }
0x41: {  	[tilespmem:s23], [sflag:$0x2] =	stream.indirect.gather [hbm4b:s2+s17], $0x80, s7, s17, $0xb8;
	[tilespmem:$0x1E400] =	vst v63  }
0x42: {  	_ =	swait.ge [sflag:s24], $0x8000  }
0x43: {  	[sflag:s24] =	ssyncset.done $0x0  }
0x44: {  	s22 =	sadd.s32 s3, s15;
	[sflag:s24] =	ssyncadd.s32 $0xFFFF8000  }
0x45: {  	[hbm4b:s22+s4] =	stream.linear.scatter [tilespmem:s18], [sflag:$0x4], $0x4000, $0x38;
	[tilespmem:$0x1E400] =	vst v63  }
0x46: {  	s5 =	sadd.s32 $0x800, s22  }
0x47: {  	[hbm4b:s5+s4] =	stream.linear.scatter [tilespmem:s19], [sflag:$0x4], $0x4000, $0x38;
	[tilespmem:$0x1E400] =	vst v63  }
0x48: {  	_ =	swait.ge [sflag:s20], $0x8000  }
0x49: {  	[sflag:s20] =	ssyncset.done $0x0  }
0x4a: {  	s25 =	simm.s32 $0x500;
	[sflag:s20] =	ssyncadd.s32 $0xFFFF8000  }
0x4b: {  	[tilespmem:s26], [sflag:$0x3] =	stream.indirect.gather [hbm4b:s2+s17], $0x80, s25, s17, $0xb8;
	[tilespmem:$0x1E400] =	vst v63  }
0x4c: {  	s22 =	simm.s32 $0xC00;
	s5 =	simm.s32 $0x580;
	s25 =	sadd.s32 $0x3000, s3  }
.LBB2_2:
0x4d: {  	[tilespmem:s29], [sflag:$0x3] =	stream.indirect.gather [hbm4b:s2+s17], $0x80, s5, s17, $0xb8;
	[tilespmem:$0x1E400] =	vst v63  }
0x4e: {  	_ =	swait.ge [sflag:s30], $0x8000  }
0x4f: {  	s7 =	rddreg [dreg:$0x5];
	[sflag:s30] =	ssyncset.done $0x0  }
0x50: {  	[sflag:s30] =	ssyncadd.s32 $0xFFFF8000;
	s7 =	sadd.s32 s25, s7  }
0x51: {  	[hbm4b:s7+s4] =	stream.linear.scatter [tilespmem:s21], [sflag:$0x5], $0x4000, $0x38;
	[tilespmem:$0x1E400] =	vst v63  }
0x52: {  	s7 =	sadd.s32 $0x800, s7  }
0x53: {  	[hbm4b:s7+s4] =	stream.linear.scatter [tilespmem:s23], [sflag:$0x5], $0x4000, $0x38;
	[tilespmem:$0x1E400] =	vst v63  }
0x54: {  	s5 =	smov.u32 s22;
	_ =	swait.ge [sflag:s31], $0x8000  }
0x55: {  	s5 =	sshra.s32 s5, $0x2;
	[sflag:s31] =	ssyncset.done $0x0  }
0x56: {  	s7 =	sadd.s32 $0x300, s5;
	[sflag:s31] =	ssyncadd.s32 $0xFFFF8000  }
0x57: {  	[tilespmem:s18], [sflag:$0x1] =	stream.indirect.gather [hbm4b:s2+s17], $0x80, s7, s17, $0xb8;
	[tilespmem:$0x1E400] =	vst v63  }
0x58: {  	s7 =	sadd.s32 $0x380, s5  }
0x59: {  	[tilespmem:s19], [sflag:$0x1] =	stream.indirect.gather [hbm4b:s2+s17], $0x80, s7, s17, $0xb8;
	[tilespmem:$0x1E400] =	vst v63  }
0x5a: {  	_ =	swait.ge [sflag:s1], $0x8000  }
0x5b: {  	s7 =	rddreg [dreg:$0x4];
	[sflag:s1] =	ssyncset.done $0x0  }
0x5c: {  	[sflag:s1] =	ssyncadd.s32 $0xFFFF8000;
	s7 =	sadd.s32 s25, s7  }
0x5d: {  	[hbm4b:s7+s4] =	stream.linear.scatter [tilespmem:s26], [sflag:$0x6], $0x4000, $0x38;
	[tilespmem:$0x1E400] =	vst v63  }
0x5e: {  	s7 =	sadd.s32 $0x800, s7  }
0x5f: {  	[hbm4b:s7+s4] =	stream.linear.scatter [tilespmem:s29], [sflag:$0x6], $0x4000, $0x38;
	[tilespmem:$0x1E400] =	vst v63  }
0x60: {  	_ =	swait.ge [sflag:s0], $0x8000  }
0x61: {  	[sflag:s0] =	ssyncset.done $0x0  }
0x62: {  	s7 =	sadd.s32 $0x400, s5;
	[sflag:s0] =	ssyncadd.s32 $0xFFFF8000  }
0x63: {  	[tilespmem:s21], [sflag:$0x2] =	stream.indirect.gather [hbm4b:s2+s17], $0x80, s7, s17, $0xb8;
	[tilespmem:$0x1E400] =	vst v63  }
0x64: {  	s7 =	sadd.s32 $0x480, s5  }
0x65: {  	[tilespmem:s23], [sflag:$0x2] =	stream.indirect.gather [hbm4b:s2+s17], $0x80, s7, s17, $0xb8;
	[tilespmem:$0x1E400] =	vst v63  }
0x66: {  	_ =	swait.ge [sflag:s24], $0x8000  }
0x67: {  	[sflag:s24] =	ssyncset.done $0x0  }
0x68: {  	s7 =	sadd.s32 s25, s15;
	[sflag:s24] =	ssyncadd.s32 $0xFFFF8000  }
0x69: {  	[hbm4b:s7+s4] =	stream.linear.scatter [tilespmem:s18], [sflag:$0x4], $0x4000, $0x38;
	[tilespmem:$0x1E400] =	vst v63  }
0x6a: {  	p0 =	sne.s32 s22, $0x17400;
	s7 =	sadd.s32 $0x800, s7  }
0x6b: {  	[hbm4b:s7+s4] =	stream.linear.scatter [tilespmem:s19], [sflag:$0x4], $0x4000, $0x38;
	[tilespmem:$0x1E400] =	vst v63  }
.Ltmp0:
0x6c: {  	_ = 	snop;
	(pc) =	sbr.rel @p0 .LBB2_2-.Ltmp0, $4  }
0x6d: {  	_ =	swait.ge [sflag:s20], $0x8000  }
0x6e: {  	s22 =	sadd.s32 $0xC00, s22;
	s25 =	sadd.s32 $0x3000, s25;
	[sflag:s20] =	ssyncset.done $0x0  }
0x6f: {  	s7 =	sadd.s32 $0x500, s5;
	s5 =	sadd.s32 $0x580, s5;
	[sflag:s20] =	ssyncadd.s32 $0xFFFF8000  }
0x70: {  	[tilespmem:s26], [sflag:$0x3] =	stream.indirect.gather [hbm4b:s2+s17], $0x80, s7, s17, $0xb8;
	[tilespmem:$0x1E400] =	vst v63  }
0x71: {  	[tilespmem:s29], [sflag:$0x3] =	stream.indirect.gather [hbm4b:s2+s17], $0x80, s5, s17, $0xb8;
	[tilespmem:$0x1E400] =	vst v63  }
0x72: {  	_ =	swait.ge [sflag:s30], $0x8000  }
0x73: {  	[sflag:s30] =	ssyncset.done $0x0  }
0x74: {  	[sflag:s30] =	ssyncadd.s32 $0xFFFF8000  }
0x75: {  	[hbm4b:s8+s4] =	stream.linear.scatter [tilespmem:s21], [sflag:$0x5], $0x4000, $0x38;
	[tilespmem:$0x1E400] =	vst v63  }
0x76: {  	_ = 	snop  }
0x77: {  	[hbm4b:s9+s4] =	stream.linear.scatter [tilespmem:s23], [sflag:$0x5], $0x4000, $0x38;
	[tilespmem:$0x1E400] =	vst v63  }
0x78: {  	_ =	swait.ge [sflag:s31], $0x8000  }
0x79: {  	[sflag:s31] =	ssyncset.done $0x0  }
0x7a: {  	s22 =	simm.s32 $0x6300;
	[sflag:s31] =	ssyncadd.s32 $0xFFFF8000  }
0x7b: {  	[tilespmem:s18], [sflag:$0x1] =	stream.indirect.gather [hbm4b:s2+s17], $0x80, s22, s17, $0xb8;
	[tilespmem:$0x1E400] =	vst v63  }
0x7c: {  	s25 =	simm.s32 $0x6380  }
0x7d: {  	[tilespmem:s19], [sflag:$0x1] =	stream.indirect.gather [hbm4b:s2+s17], $0x80, s25, s17, $0xb8;
	[tilespmem:$0x1E400] =	vst v63  }
0x7e: {  	_ =	swait.ge [sflag:s1], $0x8000  }
0x7f: {  	[sflag:s1] =	ssyncset.done $0x0  }
0x80: {  	[sflag:s1] =	ssyncadd.s32 $0xFFFF8000  }
0x81: {  	[hbm4b:s10+s4] =	stream.linear.scatter [tilespmem:s26], [sflag:$0x6], $0x4000, $0x38;
	[tilespmem:$0x1E400] =	vst v63  }
0x82: {  	_ = 	snop  }
0x83: {  	[hbm4b:s11+s4] =	stream.linear.scatter [tilespmem:s29], [sflag:$0x6], $0x4000, $0x38;
	[tilespmem:$0x1E400] =	vst v63  }
0x84: {  	_ =	swait.ge [sflag:s0], $0x8000  }
0x85: {  	[sflag:s0] =	ssyncset.done $0x0  }
0x86: {  	[sflag:s0] =	ssyncadd.s32 $0xFFFF8000  }
0x87: {  	_ =	swait.ge [sflag:s24], $0x8000  }
0x88: {  	[sflag:s24] =	ssyncset.done $0x0  }
0x89: {  	[sflag:s24] =	ssyncadd.s32 $0xFFFF8000  }
0x8a: {  	[hbm4b:s12+s4] =	stream.linear.scatter [tilespmem:s18], [sflag:$0x4], $0x4000, $0x38;
	[tilespmem:$0x1E400] =	vst v63  }
0x8b: {  	s28 =	sadd.s32 $0x1, s28  }
0x8c: {  	[hbm4b:s13+s4] =	stream.linear.scatter [tilespmem:s19], [sflag:$0x4], $0x4000, $0x38;
	[tilespmem:$0x1E400] =	vst v63  }
0x8d: {  	p0 =	sne.s32 s28, s14;
	_ =	swait.ge [sflag:s20], $0x8000  }
.Ltmp1:
0x8e: {  	[sflag:s20] =	ssyncset.done $0x0;
	(pc) =	sbr.rel @p0 .LBB2_1-.Ltmp1, $4  }
0x8f: {  	[sflag:s20] =	ssyncadd.s32 $0xFFFF8000  }
0x90: {  	_ =	swait.ge [sflag:s31], $0x8000  }
0x91: {  	[sflag:s31] =	ssyncset.done $0x0  }
0x92: {  	[sflag:s31] =	ssyncadd.s32 $0xFFFF8000  }
0x93: {  	_ =	sfence.sel $0x180000  }
0x94: {  	[bflag:$0x0] =	sbarrier.arrive $0xFFFF  }
0x95: {  	_ =	strace $0x90000047  }
0x96: {  	s0 =	stileid.u32;
	[bflag:$0x2] =	sbarrier.arrive $0xFFFF  }
0x97: {  	p0 =	sne.s32 s0, $0x0;
	s0 =	rddreg [dreg:$0x3]  }
0x98: {  	s0 =	sadd.s32 @!p0 $0x100000, s0  }
0x99: {  	[sflag:s0] =	ssyncadd.tile.s32 @!p0 $0x1;
	_ =	shalt  }
.Lfunc_end2:
_tile_overlayer_lowered:
.L_overlay_start_2:
0x9a: {  	(tag) =	ssettag $0x2  }
0x9b: {  	s0 =	rddreg [dreg:$0x0];
	s2 =	stileid.u32  }
0x9c: {  	s1 =	rddreg [dreg:$0x1];
	p0 =	sne.s32 s2, $0x0  }
0x9d: {  	s3 =	rddreg [dreg:$0x2];
	[bflag:$0x3] =	sbarrier.arrive $0xFFFF;
	s2 =	simm.s32 @!p0 $0x1C07  }
0x9e: {  	[timem:s3], [sflag:s2] =	dma.local @!p0 [hbm:s0], s1  }
0x9f: {  	s0 =	simm.s32 @!p0 $0x7  }
0xa0: {  	_ =	swait.ge @!p0 [sflag:s0], s1  }
0xa1: {  	s1 =	ssub.s32 @!p0 $0x0, s1;
	[sflag:s0] =	ssyncset.done @!p0 $0x0  }
0xa2: {  	[sflag:s0] =	ssyncadd.s32 @!p0 s1  }
0xa3: {  	[bflag:$0x3] =	sbarrier.arrive $0xFFFF  }
0xa4: {  	_ =	shalt  }

</sc_bundles>
